<compile_context>
chip_gen: v7x
topology: tpu7x:2x2x1
jax: 0.10.2.dev20260603
libtpu: 0.0.44.dev20260713+nightly
codegen_flags: <defaults>
</compile_context>

<pallas_src>
import functools

import jax
import jax.numpy as jnp
from jax import lax
from jax.experimental import pallas as pl
from jax.experimental.pallas import tpu as pltpu
from jax.experimental.pallas import tpu_sc as plsc

N_SPEAKERS = 1000
BATCH = 16384

NUM_CORES = 2
NUM_SUBCORES = 16
LANES = 16
NUM_WORKERS = NUM_CORES * NUM_SUBCORES
COLS_PER_WORKER = BATCH // NUM_WORKERS
BAND_ROWS = 80
NUM_BANDS = 13
LAST_BAND_ROWS = N_SPEAKERS - (NUM_BANDS - 1) * BAND_ROWS
COL_GROUPS = COLS_PER_WORKER // LANES
NBUF = 3

_mesh = plsc.VectorSubcoreMesh(
    core_axis_name="c",
    subcore_axis_name="s",
    num_cores=NUM_CORES,
    num_subcores=NUM_SUBCORES,
)


@functools.partial(
    pl.kernel,
    out_type=jax.ShapeDtypeStruct((N_SPEAKERS, BATCH), jnp.float32),
    mesh=_mesh,
    scratch_types=[
        pltpu.VMEM((COLS_PER_WORKER,), jnp.int32),
    ]
    + [
        pltpu.VMEM((BAND_ROWS, COLS_PER_WORKER), jnp.float32)
        for _ in range(NBUF)
    ]
    + [pltpu.SemaphoreType.DMA for _ in range(NBUF + 1)],
    compiler_params=pltpu.CompilerParams(
        needs_layout_passes=False,
        disable_bounds_checks=True,
        skip_device_barrier=True,
    ),
)
def _onehot_sc_t(ids_hbm, out_hbm, ids_v, *bufs_and_sems):
    bufs = bufs_and_sems[:NBUF]
    sems = bufs_and_sems[NBUF : 2 * NBUF]
    sem_ids = bufs_and_sems[2 * NBUF]
    wid = lax.axis_index("s") * NUM_CORES + lax.axis_index("c")
    col_base = wid * COLS_PER_WORKER

    ids_copy = pltpu.async_copy(
        ids_hbm.at[pl.ds(col_base, COLS_PER_WORKER)], ids_v, sem_ids
    )

    zeros = jnp.zeros((LANES,), jnp.float32)
    ones = jnp.ones((LANES,), jnp.float32)
    lane_iota = lax.iota(jnp.int32, LANES)

    def make_zero_body(buf):
        def zero_body(r, carry):
            for off in range(0, COLS_PER_WORKER, LANES):
                buf[r, pl.ds(off, LANES)] = zeros
            return carry

        return zero_body

    copies = [None] * NBUF
    prev = [None] * NBUF

    def scatter_slab(buf, band, value):
        r0 = band * BAND_ROWS
        h = LAST_BAND_ROWS if band == NUM_BANDS - 1 else BAND_ROWS

        def group_body(g, carry):
            ids16 = ids_v[pl.ds(g * LANES, LANES)]
            rows = ids16 - r0
            mask = (ids16 >= r0) & (ids16 < r0 + h)
            cols = lane_iota + g * LANES
            plsc.store_scatter(buf, [rows, cols], value, mask=mask)
            return carry

        lax.fori_loop(0, COL_GROUPS, group_body, 0)

    for band in range(NUM_BANDS):
        b = band % NBUF
        buf = bufs[b]
        if band < NBUF:
            lax.fori_loop(0, BAND_ROWS, make_zero_body(buf), 0)
            if band == 0:
                ids_copy.wait()
        if copies[b] is not None:
            copies[b].wait()
            scatter_slab(buf, prev[b], zeros)
        scatter_slab(buf, band, ones)
        prev[b] = band
        h = LAST_BAND_ROWS if band == NUM_BANDS - 1 else BAND_ROWS
        dst = out_hbm.at[
            pl.ds(band * BAND_ROWS, h),
            pl.ds(col_base, COLS_PER_WORKER),
        ]
        copies[b] = pltpu.async_copy(buf.at[pl.ds(0, h)], dst, sems[b])

    for b in range(NBUF):
        if copies[b] is not None:
            copies[b].wait()


def kernel(style_id):
    return _onehot_sc_t(style_id).T

# --- scband reference (transcript-rebuilt; emitter-appended) ---
"""Pipeline reference for scband-speaker-onehot-2808908612161 (READ-ONLY COPY).

The authoritative reference and input builder live on the scoring server;
editing this copy changes nothing except your own understanding.
"""

import jax, jax.numpy as jnp
import numpy as np

N_SPEAKERS = 1000
BATCH = 16384


def setup_inputs(seed: int = 0) -> dict:
    key = jax.random.key(seed)
    style_id = jax.random.randint(key, (BATCH,), 0, N_SPEAKERS, dtype=jnp.int32)
    return {"style_id": style_id}


def reference(style_id) -> jnp.ndarray:
    # Faithful translation of _SpeakerOnehot.forward (no style_comb kwarg path):
    # assert style_id.ndim == 1; return to_onehot(style_id, n_speakers).float()
    assert style_id.ndim == 1
    b = style_id.shape[0]
    # one-hot via scatter-overwrite (maps to SparseCore scatter)
    out = jnp.zeros((b, N_SPEAKERS), dtype=jnp.float32)
    out = out.at[jnp.arange(b), style_id].set(1.0)
    return out

if __name__ == "__main__":
    import jax
    _d = setup_inputs()
    print(jax.jit(kernel)(*tuple(_d.values())))

</pallas_src>

<mosaic_0001>
#map = affine_map<(d0, d1) -> (0)>
#map1 = affine_map<(d0, d1) -> (0, 0)>
module attributes {stable_mosaic.version = 14 : i64} {
  func.func @_onehot_sc_t(%arg0: i32, %arg1: i32, %arg2: memref<16384xi32, #tpu.memory_space<hbm>>, %arg3: memref<1000x16384xf32, #tpu.memory_space<hbm>>, %arg4: memref<512xi32, #tpu.memory_space<vmem>>, %arg5: memref<80x512xf32, #tpu.memory_space<vmem>>, %arg6: memref<80x512xf32, #tpu.memory_space<vmem>>, %arg7: memref<80x512xf32, #tpu.memory_space<vmem>>, %arg8: memref<!tpu.dma_semaphore, #tpu.memory_space<semaphore_mem>>, %arg9: memref<!tpu.dma_semaphore, #tpu.memory_space<semaphore_mem>>, %arg10: memref<!tpu.dma_semaphore, #tpu.memory_space<semaphore_mem>>, %arg11: memref<!tpu.dma_semaphore, #tpu.memory_space<semaphore_mem>>) attributes {dimension_semantics = [#tpu.dimension_semantics<core_parallel>, #tpu.dimension_semantics<subcore_parallel>], iteration_bounds = array<i64: 2, 16>, scalar_prefetch = 0 : i64, scratch_operands = 8 : i64, tpu.core_type = #tpu.core_type<sc_vector_subcore>, window_params = [{transform_indices = #map}, {transform_indices = #map1}]} {
    %mul3A = arith.constant 2 : i32
    %mul3A_0 = arith.muli %arg1, %mul3A : i32
    %add3A = arith.addi %mul3A_0, %arg0 : i32
    %mul3A_1 = arith.constant 512 : i32
    %mul3A_2 = arith.muli %add3A, %mul3A_1 : i32
    %dma_start3A = tpu.memref_slice %arg2[%mul3A_2] : memref<16384xi32, #tpu.memory_space<hbm>> -> memref<512xi32, #tpu.memory_space<hbm>>
    %dma_start3A_3 = tpu.memref_slice %arg2[%mul3A_2] : memref<16384xi32, #tpu.memory_space<hbm>> -> memref<512xi32, #tpu.memory_space<hbm>>
    tpu.enqueue_dma source(%dma_start3A_3 : memref<512xi32, #tpu.memory_space<hbm>>) target(%arg4 : memref<512xi32, #tpu.memory_space<vmem>>) target_semaphore(%arg11 : memref<!tpu.dma_semaphore, #tpu.memory_space<semaphore_mem>>)
    %broadcast_in_dim3A = arith.constant 0.000000e+00 : f32
    %broadcast_in_dim3A_4 = vector.broadcast %broadcast_in_dim3A : f32 to vector<16xf32>
    %broadcast_in_dim3A_5 = arith.constant 1.000000e+00 : f32
    %broadcast_in_dim3A_6 = vector.broadcast %broadcast_in_dim3A_5 : f32 to vector<16xf32>
    %iota3A = tpu.iota {dimensions = array<i32: 0>} : vector<16xi32>
    %scan3A = arith.constant 0 : i32
    %scan3A_7 = arith.constant 0 : i32
    %scan3A_8 = arith.constant 80 : i32
    %scan3A_9 = arith.addi %scan3A_7, %scan3A_8 : i32
    %scan3A_10 = arith.constant 1 : i32
    scf.for %scan3A_423 = %scan3A_7 to %scan3A_9 step %scan3A_10  : i32 {
      %swap3A = arith.index_cast %scan3A_423 : i32 to index
      %swap3A_424 = arith.constant 0 : index
      %swap3A_425 = tpu.vector_load %arg5[%swap3A, %swap3A_424] {strides = array<i32>} : memref<80x512xf32, #tpu.memory_space<vmem>>, vector<16xf32>,
      tpu.vector_store %arg5[%swap3A, %swap3A_424], %broadcast_in_dim3A_4 {strides = array<i32>} : memref<80x512xf32, #tpu.memory_space<vmem>>, vector<16xf32>,
      %swap3A_426 = arith.index_cast %scan3A_423 : i32 to index
      %swap3A_427 = arith.constant 16 : index
      %swap3A_428 = tpu.vector_load %arg5[%swap3A_426, %swap3A_427] {strides = array<i32>} : memref<80x512xf32, #tpu.memory_space<vmem>>, vector<16xf32>,
      tpu.vector_store %arg5[%swap3A_426, %swap3A_427], %broadcast_in_dim3A_4 {strides = array<i32>} : memref<80x512xf32, #tpu.memory_space<vmem>>, vector<16xf32>,
      %swap3A_429 = arith.index_cast %scan3A_423 : i32 to index
      %swap3A_430 = arith.constant 32 : index
      %swap3A_431 = tpu.vector_load %arg5[%swap3A_429, %swap3A_430] {strides = array<i32>} : memref<80x512xf32, #tpu.memory_space<vmem>>, vector<16xf32>,
      tpu.vector_store %arg5[%swap3A_429, %swap3A_430], %broadcast_in_dim3A_4 {strides = array<i32>} : memref<80x512xf32, #tpu.memory_space<vmem>>, vector<16xf32>,
      %swap3A_432 = arith.index_cast %scan3A_423 : i32 to index
      %swap3A_433 = arith.constant 48 : index
      %swap3A_434 = tpu.vector_load %arg5[%swap3A_432, %swap3A_433] {strides = array<i32>} : memref<80x512xf32, #tpu.memory_space<vmem>>, vector<16xf32>,
      tpu.vector_store %arg5[%swap3A_432, %swap3A_433], %broadcast_in_dim3A_4 {strides = array<i32>} : memref<80x512xf32, #tpu.memory_space<vmem>>, vector<16xf32>,
      %swap3A_435 = arith.index_cast %scan3A_423 : i32 to index
      %swap3A_436 = arith.constant 64 : index
      %swap3A_437 = tpu.vector_load %arg5[%swap3A_435, %swap3A_436] {strides = array<i32>} : memref<80x512xf32, #tpu.memory_space<vmem>>, vector<16xf32>,
      tpu.vector_store %arg5[%swap3A_435, %swap3A_436], %broadcast_in_dim3A_4 {strides = array<i32>} : memref<80x512xf32, #tpu.memory_space<vmem>>, vector<16xf32>,
      %swap3A_438 = arith.index_cast %scan3A_423 : i32 to index
      %swap3A_439 = arith.constant 80 : index
      %swap3A_440 = tpu.vector_load %arg5[%swap3A_438, %swap3A_439] {strides = array<i32>} : memref<80x512xf32, #tpu.memory_space<vmem>>, vector<16xf32>,
      tpu.vector_store %arg5[%swap3A_438, %swap3A_439], %broadcast_in_dim3A_4 {strides = array<i32>} : memref<80x512xf32, #tpu.memory_space<vmem>>, vector<16xf32>,
      %swap3A_441 = arith.index_cast %scan3A_423 : i32 to index
      %swap3A_442 = arith.constant 96 : index
      %swap3A_443 = tpu.vector_load %arg5[%swap3A_441, %swap3A_442] {strides = array<i32>} : memref<80x512xf32, #tpu.memory_space<vmem>>, vector<16xf32>,
      tpu.vector_store %arg5[%swap3A_441, %swap3A_442], %broadcast_in_dim3A_4 {strides = array<i32>} : memref<80x512xf32, #tpu.memory_space<vmem>>, vector<16xf32>,
      %swap3A_444 = arith.index_cast %scan3A_423 : i32 to index
      %swap3A_445 = arith.constant 112 : index
      %swap3A_446 = tpu.vector_load %arg5[%swap3A_444, %swap3A_445] {strides = array<i32>} : memref<80x512xf32, #tpu.memory_space<vmem>>, vector<16xf32>,
      tpu.vector_store %arg5[%swap3A_444, %swap3A_445], %broadcast_in_dim3A_4 {strides = array<i32>} : memref<80x512xf32, #tpu.memory_space<vmem>>, vector<16xf32>,
      %swap3A_447 = arith.index_cast %scan3A_423 : i32 to index
      %swap3A_448 = arith.constant 128 : index
      %swap3A_449 = tpu.vector_load %arg5[%swap3A_447, %swap3A_448] {strides = array<i32>} : memref<80x512xf32, #tpu.memory_space<vmem>>, vector<16xf32>,
      tpu.vector_store %arg5[%swap3A_447, %swap3A_448], %broadcast_in_dim3A_4 {strides = array<i32>} : memref<80x512xf32, #tpu.memory_space<vmem>>, vector<16xf32>,
      %swap3A_450 = arith.index_cast %scan3A_423 : i32 to index
      %swap3A_451 = arith.constant 144 : index
      %swap3A_452 = tpu.vector_load %arg5[%swap3A_450, %swap3A_451] {strides = array<i32>} : memref<80x512xf32, #tpu.memory_space<vmem>>, vector<16xf32>,
      tpu.vector_store %arg5[%swap3A_450, %swap3A_451], %broadcast_in_dim3A_4 {strides = array<i32>} : memref<80x512xf32, #tpu.memory_space<vmem>>, vector<16xf32>,
      %swap3A_453 = arith.index_cast %scan3A_423 : i32 to index
      %swap3A_454 = arith.constant 160 : index
      %swap3A_455 = tpu.vector_load %arg5[%swap3A_453, %swap3A_454] {strides = array<i32>} : memref<80x512xf32, #tpu.memory_space<vmem>>, vector<16xf32>,
      tpu.vector_store %arg5[%swap3A_453, %swap3A_454], %broadcast_in_dim3A_4 {strides = array<i32>} : memref<80x512xf32, #tpu.memory_space<vmem>>, vector<16xf32>,
      %swap3A_456 = arith.index_cast %scan3A_423 : i32 to index
      %swap3A_457 = arith.constant 176 : index
      %swap3A_458 = tpu.vector_load %arg5[%swap3A_456, %swap3A_457] {strides = array<i32>} : memref<80x512xf32, #tpu.memory_space<vmem>>, vector<16xf32>,
      tpu.vector_store %arg5[%swap3A_456, %swap3A_457], %broadcast_in_dim3A_4 {strides = array<i32>} : memref<80x512xf32, #tpu.memory_space<vmem>>, vector<16xf32>,
      %swap3A_459 = arith.index_cast %scan3A_423 : i32 to index
      %swap3A_460 = arith.constant 192 : index
      %swap3A_461 = tpu.vector_load %arg5[%swap3A_459, %swap3A_460] {strides = array<i32>} : memref<80x512xf32, #tpu.memory_space<vmem>>, vector<16xf32>,
      tpu.vector_store %arg5[%swap3A_459, %swap3A_460], %broadcast_in_dim3A_4 {strides = array<i32>} : memref<80x512xf32, #tpu.memory_space<vmem>>, vector<16xf32>,
      %swap3A_462 = arith.index_cast %scan3A_423 : i32 to index
      %swap3A_463 = arith.constant 208 : index
      %swap3A_464 = tpu.vector_load %arg5[%swap3A_462, %swap3A_463] {strides = array<i32>} : memref<80x512xf32, #tpu.memory_space<vmem>>, vector<16xf32>,
      tpu.vector_store %arg5[%swap3A_462, %swap3A_463], %broadcast_in_dim3A_4 {strides = array<i32>} : memref<80x512xf32, #tpu.memory_space<vmem>>, vector<16xf32>,
      %swap3A_465 = arith.index_cast %scan3A_423 : i32 to index
      %swap3A_466 = arith.constant 224 : index
      %swap3A_467 = tpu.vector_load %arg5[%swap3A_465, %swap3A_466] {strides = array<i32>} : memref<80x512xf32, #tpu.memory_space<vmem>>, vector<16xf32>,
      tpu.vector_store %arg5[%swap3A_465, %swap3A_466], %broadcast_in_dim3A_4 {strides = array<i32>} : memref<80x512xf32, #tpu.memory_space<vmem>>, vector<16xf32>,
      %swap3A_468 = arith.index_cast %scan3A_423 : i32 to index
      %swap3A_469 = arith.constant 240 : index
      %swap3A_470 = tpu.vector_load %arg5[%swap3A_468, %swap3A_469] {strides = array<i32>} : memref<80x512xf32, #tpu.memory_space<vmem>>, vector<16xf32>,
      tpu.vector_store %arg5[%swap3A_468, %swap3A_469], %broadcast_in_dim3A_4 {strides = array<i32>} : memref<80x512xf32, #tpu.memory_space<vmem>>, vector<16xf32>,
      %swap3A_471 = arith.index_cast %scan3A_423 : i32 to index
      %swap3A_472 = arith.constant 256 : index
      %swap3A_473 = tpu.vector_load %arg5[%swap3A_471, %swap3A_472] {strides = array<i32>} : memref<80x512xf32, #tpu.memory_space<vmem>>, vector<16xf32>,
      tpu.vector_store %arg5[%swap3A_471, %swap3A_472], %broadcast_in_dim3A_4 {strides = array<i32>} : memref<80x512xf32, #tpu.memory_space<vmem>>, vector<16xf32>,
      %swap3A_474 = arith.index_cast %scan3A_423 : i32 to index
      %swap3A_475 = arith.constant 272 : index
      %swap3A_476 = tpu.vector_load %arg5[%swap3A_474, %swap3A_475] {strides = array<i32>} : memref<80x512xf32, #tpu.memory_space<vmem>>, vector<16xf32>,
      tpu.vector_store %arg5[%swap3A_474, %swap3A_475], %broadcast_in_dim3A_4 {strides = array<i32>} : memref<80x512xf32, #tpu.memory_space<vmem>>, vector<16xf32>,
      %swap3A_477 = arith.index_cast %scan3A_423 : i32 to index
      %swap3A_478 = arith.constant 288 : index
      %swap3A_479 = tpu.vector_load %arg5[%swap3A_477, %swap3A_478] {strides = array<i32>} : memref<80x512xf32, #tpu.memory_space<vmem>>, vector<16xf32>,
      tpu.vector_store %arg5[%swap3A_477, %swap3A_478], %broadcast_in_dim3A_4 {strides = array<i32>} : memref<80x512xf32, #tpu.memory_space<vmem>>, vector<16xf32>,
      %swap3A_480 = arith.index_cast %scan3A_423 : i32 to index
      %swap3A_481 = arith.constant 304 : index
      %swap3A_482 = tpu.vector_load %arg5[%swap3A_480, %swap3A_481] {strides = array<i32>} : memref<80x512xf32, #tpu.memory_space<vmem>>, vector<16xf32>,
      tpu.vector_store %arg5[%swap3A_480, %swap3A_481], %broadcast_in_dim3A_4 {strides = array<i32>} : memref<80x512xf32, #tpu.memory_space<vmem>>, vector<16xf32>,
      %swap3A_483 = arith.index_cast %scan3A_423 : i32 to index
      %swap3A_484 = arith.constant 320 : index
      %swap3A_485 = tpu.vector_load %arg5[%swap3A_483, %swap3A_484] {strides = array<i32>} : memref<80x512xf32, #tpu.memory_space<vmem>>, vector<16xf32>,
      tpu.vector_store %arg5[%swap3A_483, %swap3A_484], %broadcast_in_dim3A_4 {strides = array<i32>} : memref<80x512xf32, #tpu.memory_space<vmem>>, vector<16xf32>,
      %swap3A_486 = arith.index_cast %scan3A_423 : i32 to index
      %swap3A_487 = arith.constant 336 : index
      %swap3A_488 = tpu.vector_load %arg5[%swap3A_486, %swap3A_487] {strides = array<i32>} : memref<80x512xf32, #tpu.memory_space<vmem>>, vector<16xf32>,
      tpu.vector_store %arg5[%swap3A_486, %swap3A_487], %broadcast_in_dim3A_4 {strides = array<i32>} : memref<80x512xf32, #tpu.memory_space<vmem>>, vector<16xf32>,
      %swap3A_489 = arith.index_cast %scan3A_423 : i32 to index
      %swap3A_490 = arith.constant 352 : index
      %swap3A_491 = tpu.vector_load %arg5[%swap3A_489, %swap3A_490] {strides = array<i32>} : memref<80x512xf32, #tpu.memory_space<vmem>>, vector<16xf32>,
      tpu.vector_store %arg5[%swap3A_489, %swap3A_490], %broadcast_in_dim3A_4 {strides = array<i32>} : memref<80x512xf32, #tpu.memory_space<vmem>>, vector<16xf32>,
      %swap3A_492 = arith.index_cast %scan3A_423 : i32 to index
      %swap3A_493 = arith.constant 368 : index
      %swap3A_494 = tpu.vector_load %arg5[%swap3A_492, %swap3A_493] {strides = array<i32>} : memref<80x512xf32, #tpu.memory_space<vmem>>, vector<16xf32>,
      tpu.vector_store %arg5[%swap3A_492, %swap3A_493], %broadcast_in_dim3A_4 {strides = array<i32>} : memref<80x512xf32, #tpu.memory_space<vmem>>, vector<16xf32>,
      %swap3A_495 = arith.index_cast %scan3A_423 : i32 to index
      %swap3A_496 = arith.constant 384 : index
      %swap3A_497 = tpu.vector_load %arg5[%swap3A_495, %swap3A_496] {strides = array<i32>} : memref<80x512xf32, #tpu.memory_space<vmem>>, vector<16xf32>,
      tpu.vector_store %arg5[%swap3A_495, %swap3A_496], %broadcast_in_dim3A_4 {strides = array<i32>} : memref<80x512xf32, #tpu.memory_space<vmem>>, vector<16xf32>,
      %swap3A_498 = arith.index_cast %scan3A_423 : i32 to index
      %swap3A_499 = arith.constant 400 : index
      %swap3A_500 = tpu.vector_load %arg5[%swap3A_498, %swap3A_499] {strides = array<i32>} : memref<80x512xf32, #tpu.memory_space<vmem>>, vector<16xf32>,
      tpu.vector_store %arg5[%swap3A_498, %swap3A_499], %broadcast_in_dim3A_4 {strides = array<i32>} : memref<80x512xf32, #tpu.memory_space<vmem>>, vector<16xf32>,
      %swap3A_501 = arith.index_cast %scan3A_423 : i32 to index
      %swap3A_502 = arith.constant 416 : index
      %swap3A_503 = tpu.vector_load %arg5[%swap3A_501, %swap3A_502] {strides = array<i32>} : memref<80x512xf32, #tpu.memory_space<vmem>>, vector<16xf32>,
      tpu.vector_store %arg5[%swap3A_501, %swap3A_502], %broadcast_in_dim3A_4 {strides = array<i32>} : memref<80x512xf32, #tpu.memory_space<vmem>>, vector<16xf32>,
      %swap3A_504 = arith.index_cast %scan3A_423 : i32 to index
      %swap3A_505 = arith.constant 432 : index
      %swap3A_506 = tpu.vector_load %arg5[%swap3A_504, %swap3A_505] {strides = array<i32>} : memref<80x512xf32, #tpu.memory_space<vmem>>, vector<16xf32>,
      tpu.vector_store %arg5[%swap3A_504, %swap3A_505], %broadcast_in_dim3A_4 {strides = array<i32>} : memref<80x512xf32, #tpu.memory_space<vmem>>, vector<16xf32>,
      %swap3A_507 = arith.index_cast %scan3A_423 : i32 to index
      %swap3A_508 = arith.constant 448 : index
      %swap3A_509 = tpu.vector_load %arg5[%swap3A_507, %swap3A_508] {strides = array<i32>} : memref<80x512xf32, #tpu.memory_space<vmem>>, vector<16xf32>,
      tpu.vector_store %arg5[%swap3A_507, %swap3A_508], %broadcast_in_dim3A_4 {strides = array<i32>} : memref<80x512xf32, #tpu.memory_space<vmem>>, vector<16xf32>,
      %swap3A_510 = arith.index_cast %scan3A_423 : i32 to index
      %swap3A_511 = arith.constant 464 : index
      %swap3A_512 = tpu.vector_load %arg5[%swap3A_510, %swap3A_511] {strides = array<i32>} : memref<80x512xf32, #tpu.memory_space<vmem>>, vector<16xf32>,
      tpu.vector_store %arg5[%swap3A_510, %swap3A_511], %broadcast_in_dim3A_4 {strides = array<i32>} : memref<80x512xf32, #tpu.memory_space<vmem>>, vector<16xf32>,
      %swap3A_513 = arith.index_cast %scan3A_423 : i32 to index
      %swap3A_514 = arith.constant 480 : index
      %swap3A_515 = tpu.vector_load %arg5[%swap3A_513, %swap3A_514] {strides = array<i32>} : memref<80x512xf32, #tpu.memory_space<vmem>>, vector<16xf32>,
      tpu.vector_store %arg5[%swap3A_513, %swap3A_514], %broadcast_in_dim3A_4 {strides = array<i32>} : memref<80x512xf32, #tpu.memory_space<vmem>>, vector<16xf32>,
      %swap3A_516 = arith.index_cast %scan3A_423 : i32 to index
      %swap3A_517 = arith.constant 496 : index
      %swap3A_518 = tpu.vector_load %arg5[%swap3A_516, %swap3A_517] {strides = array<i32>} : memref<80x512xf32, #tpu.memory_space<vmem>>, vector<16xf32>,
      tpu.vector_store %arg5[%swap3A_516, %swap3A_517], %broadcast_in_dim3A_4 {strides = array<i32>} : memref<80x512xf32, #tpu.memory_space<vmem>>, vector<16xf32>,
    }
    %scan3A_11 = arith.constant 80 : i32
    %dma_wait3A = tpu.memref_slice %arg2[%mul3A_2] : memref<16384xi32, #tpu.memory_space<hbm>> -> memref<512xi32, #tpu.memory_space<hbm>>
    %dma_wait3A_12 = tpu.memref_slice %arg2[%mul3A_2] : memref<16384xi32, #tpu.memory_space<hbm>> -> memref<512xi32, #tpu.memory_space<hbm>>
    tpu.wait_dma2 semaphore(%arg11 : memref<!tpu.dma_semaphore, #tpu.memory_space<semaphore_mem>>) src(%dma_wait3A_12 : memref<512xi32, #tpu.memory_space<hbm>>) dst(%arg4 : memref<512xi32, #tpu.memory_space<vmem>>)
    %scan3A_13 = arith.constant 0 : i32
    %scan3A_14 = arith.constant 0 : i32
    %scan3A_15 = arith.constant 32 : i32
    %scan3A_16 = arith.addi %scan3A_14, %scan3A_15 : i32
    %scan3A_17 = arith.constant 1 : i32
    scf.for %scan3A_423 = %scan3A_14 to %scan3A_16 step %scan3A_17  : i32 {
      %mul3A_424 = arith.constant 16 : i32
      %mul3A_425 = arith.muli %scan3A_423, %mul3A_424 : i32
      %get3A = arith.index_cast %mul3A_425 : i32 to index
      %get3A_426 = tpu.vector_load %arg4[%get3A] {strides = array<i32>} : memref<512xi32, #tpu.memory_space<vmem>>, vector<16xi32>,
      %sub3A = arith.constant 0 : i32
      %sub3A_427 = vector.broadcast %sub3A : i32 to vector<16xi32>
      %sub3A_428 = arith.subi %get3A_426, %sub3A_427 : vector<16xi32>
      %ge3A = arith.constant 0 : i32
      %ge3A_429 = vector.broadcast %ge3A : i32 to vector<16xi32>
      %ge3A_430 = arith.cmpi sge, %get3A_426, %ge3A_429 : vector<16xi32>
      %lt3A = arith.constant 80 : i32
      %lt3A_431 = vector.broadcast %lt3A : i32 to vector<16xi32>
      %lt3A_432 = arith.cmpi slt, %get3A_426, %lt3A_431 : vector<16xi32>
      %and3A = arith.andi %ge3A_430, %lt3A_432 : vector<16xi1>
      %mul3A_433 = arith.constant 16 : i32
      %mul3A_434 = arith.muli %scan3A_423, %mul3A_433 : i32
      %add3A_435 = vector.broadcast %mul3A_434 : i32 to vector<16xi32>
      %add3A_436 = arith.addi %iota3A, %add3A_435 : vector<16xi32>
      tpu.vector_store_idx %arg5[%sub3A_428, %add3A_436], %broadcast_in_dim3A_6 masked %and3A : memref<80x512xf32, #tpu.memory_space<vmem>>[vector<16xi32>, vector<16xi32>], vector<16xf32>, vector<16xi1>
    }
    %scan3A_18 = arith.constant 32 : i32
    %dma_start3A_19 = arith.constant 0 : i32
    %dma_start3A_20 = arith.constant 0 : i32
    %dma_start3A_21 = tpu.memref_slice %arg5[%dma_start3A_19, %dma_start3A_20] : memref<80x512xf32, #tpu.memory_space<vmem>> -> memref<80x512xf32, #tpu.memory_space<vmem>>
    %dma_start3A_22 = arith.constant 0 : i32
    %dma_start3A_23 = tpu.memref_slice %arg3[%dma_start3A_22, %mul3A_2] : memref<1000x16384xf32, #tpu.memory_space<hbm>> -> memref<80x512xf32, #tpu.memory_space<hbm>>
    %dma_start3A_24 = arith.constant 0 : i32
    %dma_start3A_25 = tpu.memref_slice %arg3[%dma_start3A_24, %mul3A_2] : memref<1000x16384xf32, #tpu.memory_space<hbm>> -> memref<80x512xf32, #tpu.memory_space<hbm>>
    %dma_start3A_26 = arith.constant 0 : i32
    %dma_start3A_27 = arith.constant 0 : i32
    %dma_start3A_28 = tpu.memref_slice %arg5[%dma_start3A_26, %dma_start3A_27] : memref<80x512xf32, #tpu.memory_space<vmem>> -> memref<80x512xf32, #tpu.memory_space<vmem>>
    tpu.enqueue_dma source(%dma_start3A_28 : memref<80x512xf32, #tpu.memory_space<vmem>>) target(%dma_start3A_25 : memref<80x512xf32, #tpu.memory_space<hbm>>) target_semaphore(%arg8 : memref<!tpu.dma_semaphore, #tpu.memory_space<semaphore_mem>>)
    %scan3A_29 = arith.constant 0 : i32
    %scan3A_30 = arith.constant 0 : i32
    %scan3A_31 = arith.constant 80 : i32
    %scan3A_32 = arith.addi %scan3A_30, %scan3A_31 : i32
    %scan3A_33 = arith.constant 1 : i32
    scf.for %scan3A_423 = %scan3A_30 to %scan3A_32 step %scan3A_33  : i32 {
      %swap3A = arith.index_cast %scan3A_423 : i32 to index
      %swap3A_424 = arith.constant 0 : index
      %swap3A_425 = tpu.vector_load %arg6[%swap3A, %swap3A_424] {strides = array<i32>} : memref<80x512xf32, #tpu.memory_space<vmem>>, vector<16xf32>,
      tpu.vector_store %arg6[%swap3A, %swap3A_424], %broadcast_in_dim3A_4 {strides = array<i32>} : memref<80x512xf32, #tpu.memory_space<vmem>>, vector<16xf32>,
      %swap3A_426 = arith.index_cast %scan3A_423 : i32 to index
      %swap3A_427 = arith.constant 16 : index
      %swap3A_428 = tpu.vector_load %arg6[%swap3A_426, %swap3A_427] {strides = array<i32>} : memref<80x512xf32, #tpu.memory_space<vmem>>, vector<16xf32>,
      tpu.vector_store %arg6[%swap3A_426, %swap3A_427], %broadcast_in_dim3A_4 {strides = array<i32>} : memref<80x512xf32, #tpu.memory_space<vmem>>, vector<16xf32>,
      %swap3A_429 = arith.index_cast %scan3A_423 : i32 to index
      %swap3A_430 = arith.constant 32 : index
      %swap3A_431 = tpu.vector_load %arg6[%swap3A_429, %swap3A_430] {strides = array<i32>} : memref<80x512xf32, #tpu.memory_space<vmem>>, vector<16xf32>,
      tpu.vector_store %arg6[%swap3A_429, %swap3A_430], %broadcast_in_dim3A_4 {strides = array<i32>} : memref<80x512xf32, #tpu.memory_space<vmem>>, vector<16xf32>,
      %swap3A_432 = arith.index_cast %scan3A_423 : i32 to index
      %swap3A_433 = arith.constant 48 : index
      %swap3A_434 = tpu.vector_load %arg6[%swap3A_432, %swap3A_433] {strides = array<i32>} : memref<80x512xf32, #tpu.memory_space<vmem>>, vector<16xf32>,
      tpu.vector_store %arg6[%swap3A_432, %swap3A_433], %broadcast_in_dim3A_4 {strides = array<i32>} : memref<80x512xf32, #tpu.memory_space<vmem>>, vector<16xf32>,
      %swap3A_435 = arith.index_cast %scan3A_423 : i32 to index
      %swap3A_436 = arith.constant 64 : index
      %swap3A_437 = tpu.vector_load %arg6[%swap3A_435, %swap3A_436] {strides = array<i32>} : memref<80x512xf32, #tpu.memory_space<vmem>>, vector<16xf32>,
      tpu.vector_store %arg6[%swap3A_435, %swap3A_436], %broadcast_in_dim3A_4 {strides = array<i32>} : memref<80x512xf32, #tpu.memory_space<vmem>>, vector<16xf32>,
      %swap3A_438 = arith.index_cast %scan3A_423 : i32 to index
      %swap3A_439 = arith.constant 80 : index
      %swap3A_440 = tpu.vector_load %arg6[%swap3A_438, %swap3A_439] {strides = array<i32>} : memref<80x512xf32, #tpu.memory_space<vmem>>, vector<16xf32>,
      tpu.vector_store %arg6[%swap3A_438, %swap3A_439], %broadcast_in_dim3A_4 {strides = array<i32>} : memref<80x512xf32, #tpu.memory_space<vmem>>, vector<16xf32>,
      %swap3A_441 = arith.index_cast %scan3A_423 : i32 to index
      %swap3A_442 = arith.constant 96 : index
      %swap3A_443 = tpu.vector_load %arg6[%swap3A_441, %swap3A_442] {strides = array<i32>} : memref<80x512xf32, #tpu.memory_space<vmem>>, vector<16xf32>,
      tpu.vector_store %arg6[%swap3A_441, %swap3A_442], %broadcast_in_dim3A_4 {strides = array<i32>} : memref<80x512xf32, #tpu.memory_space<vmem>>, vector<16xf32>,
      %swap3A_444 = arith.index_cast %scan3A_423 : i32 to index
      %swap3A_445 = arith.constant 112 : index
      %swap3A_446 = tpu.vector_load %arg6[%swap3A_444, %swap3A_445] {strides = array<i32>} : memref<80x512xf32, #tpu.memory_space<vmem>>, vector<16xf32>,
      tpu.vector_store %arg6[%swap3A_444, %swap3A_445], %broadcast_in_dim3A_4 {strides = array<i32>} : memref<80x512xf32, #tpu.memory_space<vmem>>, vector<16xf32>,
      %swap3A_447 = arith.index_cast %scan3A_423 : i32 to index
      %swap3A_448 = arith.constant 128 : index
      %swap3A_449 = tpu.vector_load %arg6[%swap3A_447, %swap3A_448] {strides = array<i32>} : memref<80x512xf32, #tpu.memory_space<vmem>>, vector<16xf32>,
      tpu.vector_store %arg6[%swap3A_447, %swap3A_448], %broadcast_in_dim3A_4 {strides = array<i32>} : memref<80x512xf32, #tpu.memory_space<vmem>>, vector<16xf32>,
      %swap3A_450 = arith.index_cast %scan3A_423 : i32 to index
      %swap3A_451 = arith.constant 144 : index
      %swap3A_452 = tpu.vector_load %arg6[%swap3A_450, %swap3A_451] {strides = array<i32>} : memref<80x512xf32, #tpu.memory_space<vmem>>, vector<16xf32>,
      tpu.vector_store %arg6[%swap3A_450, %swap3A_451], %broadcast_in_dim3A_4 {strides = array<i32>} : memref<80x512xf32, #tpu.memory_space<vmem>>, vector<16xf32>,
      %swap3A_453 = arith.index_cast %scan3A_423 : i32 to index
      %swap3A_454 = arith.constant 160 : index
      %swap3A_455 = tpu.vector_load %arg6[%swap3A_453, %swap3A_454] {strides = array<i32>} : memref<80x512xf32, #tpu.memory_space<vmem>>, vector<16xf32>,
      tpu.vector_store %arg6[%swap3A_453, %swap3A_454], %broadcast_in_dim3A_4 {strides = array<i32>} : memref<80x512xf32, #tpu.memory_space<vmem>>, vector<16xf32>,
      %swap3A_456 = arith.index_cast %scan3A_423 : i32 to index
      %swap3A_457 = arith.constant 176 : index
      %swap3A_458 = tpu.vector_load %arg6[%swap3A_456, %swap3A_457] {strides = array<i32>} : memref<80x512xf32, #tpu.memory_space<vmem>>, vector<16xf32>,
      tpu.vector_store %arg6[%swap3A_456, %swap3A_457], %broadcast_in_dim3A_4 {strides = array<i32>} : memref<80x512xf32, #tpu.memory_space<vmem>>, vector<16xf32>,
      %swap3A_459 = arith.index_cast %scan3A_423 : i32 to index
      %swap3A_460 = arith.constant 192 : index
      %swap3A_461 = tpu.vector_load %arg6[%swap3A_459, %swap3A_460] {strides = array<i32>} : memref<80x512xf32, #tpu.memory_space<vmem>>, vector<16xf32>,
      tpu.vector_store %arg6[%swap3A_459, %swap3A_460], %broadcast_in_dim3A_4 {strides = array<i32>} : memref<80x512xf32, #tpu.memory_space<vmem>>, vector<16xf32>,
      %swap3A_462 = arith.index_cast %scan3A_423 : i32 to index
      %swap3A_463 = arith.constant 208 : index
      %swap3A_464 = tpu.vector_load %arg6[%swap3A_462, %swap3A_463] {strides = array<i32>} : memref<80x512xf32, #tpu.memory_space<vmem>>, vector<16xf32>,
      tpu.vector_store %arg6[%swap3A_462, %swap3A_463], %broadcast_in_dim3A_4 {strides = array<i32>} : memref<80x512xf32, #tpu.memory_space<vmem>>, vector<16xf32>,
      %swap3A_465 = arith.index_cast %scan3A_423 : i32 to index
      %swap3A_466 = arith.constant 224 : index
      %swap3A_467 = tpu.vector_load %arg6[%swap3A_465, %swap3A_466] {strides = array<i32>} : memref<80x512xf32, #tpu.memory_space<vmem>>, vector<16xf32>,
      tpu.vector_store %arg6[%swap3A_465, %swap3A_466], %broadcast_in_dim3A_4 {strides = array<i32>} : memref<80x512xf32, #tpu.memory_space<vmem>>, vector<16xf32>,
      %swap3A_468 = arith.index_cast %scan3A_423 : i32 to index
      %swap3A_469 = arith.constant 240 : index
      %swap3A_470 = tpu.vector_load %arg6[%swap3A_468, %swap3A_469] {strides = array<i32>} : memref<80x512xf32, #tpu.memory_space<vmem>>, vector<16xf32>,
      tpu.vector_store %arg6[%swap3A_468, %swap3A_469], %broadcast_in_dim3A_4 {strides = array<i32>} : memref<80x512xf32, #tpu.memory_space<vmem>>, vector<16xf32>,
      %swap3A_471 = arith.index_cast %scan3A_423 : i32 to index
      %swap3A_472 = arith.constant 256 : index
      %swap3A_473 = tpu.vector_load %arg6[%swap3A_471, %swap3A_472] {strides = array<i32>} : memref<80x512xf32, #tpu.memory_space<vmem>>, vector<16xf32>,
      tpu.vector_store %arg6[%swap3A_471, %swap3A_472], %broadcast_in_dim3A_4 {strides = array<i32>} : memref<80x512xf32, #tpu.memory_space<vmem>>, vector<16xf32>,
      %swap3A_474 = arith.index_cast %scan3A_423 : i32 to index
      %swap3A_475 = arith.constant 272 : index
      %swap3A_476 = tpu.vector_load %arg6[%swap3A_474, %swap3A_475] {strides = array<i32>} : memref<80x512xf32, #tpu.memory_space<vmem>>, vector<16xf32>,
      tpu.vector_store %arg6[%swap3A_474, %swap3A_475], %broadcast_in_dim3A_4 {strides = array<i32>} : memref<80x512xf32, #tpu.memory_space<vmem>>, vector<16xf32>,
      %swap3A_477 = arith.index_cast %scan3A_423 : i32 to index
      %swap3A_478 = arith.constant 288 : index
      %swap3A_479 = tpu.vector_load %arg6[%swap3A_477, %swap3A_478] {strides = array<i32>} : memref<80x512xf32, #tpu.memory_space<vmem>>, vector<16xf32>,
      tpu.vector_store %arg6[%swap3A_477, %swap3A_478], %broadcast_in_dim3A_4 {strides = array<i32>} : memref<80x512xf32, #tpu.memory_space<vmem>>, vector<16xf32>,
      %swap3A_480 = arith.index_cast %scan3A_423 : i32 to index
      %swap3A_481 = arith.constant 304 : index
      %swap3A_482 = tpu.vector_load %arg6[%swap3A_480, %swap3A_481] {strides = array<i32>} : memref<80x512xf32, #tpu.memory_space<vmem>>, vector<16xf32>,
      tpu.vector_store %arg6[%swap3A_480, %swap3A_481], %broadcast_in_dim3A_4 {strides = array<i32>} : memref<80x512xf32, #tpu.memory_space<vmem>>, vector<16xf32>,
      %swap3A_483 = arith.index_cast %scan3A_423 : i32 to index
      %swap3A_484 = arith.constant 320 : index
      %swap3A_485 = tpu.vector_load %arg6[%swap3A_483, %swap3A_484] {strides = array<i32>} : memref<80x512xf32, #tpu.memory_space<vmem>>, vector<16xf32>,
      tpu.vector_store %arg6[%swap3A_483, %swap3A_484], %broadcast_in_dim3A_4 {strides = array<i32>} : memref<80x512xf32, #tpu.memory_space<vmem>>, vector<16xf32>,
      %swap3A_486 = arith.index_cast %scan3A_423 : i32 to index
      %swap3A_487 = arith.constant 336 : index
      %swap3A_488 = tpu.vector_load %arg6[%swap3A_486, %swap3A_487] {strides = array<i32>} : memref<80x512xf32, #tpu.memory_space<vmem>>, vector<16xf32>,
      tpu.vector_store %arg6[%swap3A_486, %swap3A_487], %broadcast_in_dim3A_4 {strides = array<i32>} : memref<80x512xf32, #tpu.memory_space<vmem>>, vector<16xf32>,
      %swap3A_489 = arith.index_cast %scan3A_423 : i32 to index
      %swap3A_490 = arith.constant 352 : index
      %swap3A_491 = tpu.vector_load %arg6[%swap3A_489, %swap3A_490] {strides = array<i32>} : memref<80x512xf32, #tpu.memory_space<vmem>>, vector<16xf32>,
      tpu.vector_store %arg6[%swap3A_489, %swap3A_490], %broadcast_in_dim3A_4 {strides = array<i32>} : memref<80x512xf32, #tpu.memory_space<vmem>>, vector<16xf32>,
      %swap3A_492 = arith.index_cast %scan3A_423 : i32 to index
      %swap3A_493 = arith.constant 368 : index
      %swap3A_494 = tpu.vector_load %arg6[%swap3A_492, %swap3A_493] {strides = array<i32>} : memref<80x512xf32, #tpu.memory_space<vmem>>, vector<16xf32>,
      tpu.vector_store %arg6[%swap3A_492, %swap3A_493], %broadcast_in_dim3A_4 {strides = array<i32>} : memref<80x512xf32, #tpu.memory_space<vmem>>, vector<16xf32>,
      %swap3A_495 = arith.index_cast %scan3A_423 : i32 to index
      %swap3A_496 = arith.constant 384 : index
      %swap3A_497 = tpu.vector_load %arg6[%swap3A_495, %swap3A_496] {strides = array<i32>} : memref<80x512xf32, #tpu.memory_space<vmem>>, vector<16xf32>,
      tpu.vector_store %arg6[%swap3A_495, %swap3A_496], %broadcast_in_dim3A_4 {strides = array<i32>} : memref<80x512xf32, #tpu.memory_space<vmem>>, vector<16xf32>,
      %swap3A_498 = arith.index_cast %scan3A_423 : i32 to index
      %swap3A_499 = arith.constant 400 : index
      %swap3A_500 = tpu.vector_load %arg6[%swap3A_498, %swap3A_499] {strides = array<i32>} : memref<80x512xf32, #tpu.memory_space<vmem>>, vector<16xf32>,
      tpu.vector_store %arg6[%swap3A_498, %swap3A_499], %broadcast_in_dim3A_4 {strides = array<i32>} : memref<80x512xf32, #tpu.memory_space<vmem>>, vector<16xf32>,
      %swap3A_501 = arith.index_cast %scan3A_423 : i32 to index
      %swap3A_502 = arith.constant 416 : index
      %swap3A_503 = tpu.vector_load %arg6[%swap3A_501, %swap3A_502] {strides = array<i32>} : memref<80x512xf32, #tpu.memory_space<vmem>>, vector<16xf32>,
      tpu.vector_store %arg6[%swap3A_501, %swap3A_502], %broadcast_in_dim3A_4 {strides = array<i32>} : memref<80x512xf32, #tpu.memory_space<vmem>>, vector<16xf32>,
      %swap3A_504 = arith.index_cast %scan3A_423 : i32 to index
      %swap3A_505 = arith.constant 432 : index
      %swap3A_506 = tpu.vector_load %arg6[%swap3A_504, %swap3A_505] {strides = array<i32>} : memref<80x512xf32, #tpu.memory_space<vmem>>, vector<16xf32>,
      tpu.vector_store %arg6[%swap3A_504, %swap3A_505], %broadcast_in_dim3A_4 {strides = array<i32>} : memref<80x512xf32, #tpu.memory_space<vmem>>, vector<16xf32>,
      %swap3A_507 = arith.index_cast %scan3A_423 : i32 to index
      %swap3A_508 = arith.constant 448 : index
      %swap3A_509 = tpu.vector_load %arg6[%swap3A_507, %swap3A_508] {strides = array<i32>} : memref<80x512xf32, #tpu.memory_space<vmem>>, vector<16xf32>,
      tpu.vector_store %arg6[%swap3A_507, %swap3A_508], %broadcast_in_dim3A_4 {strides = array<i32>} : memref<80x512xf32, #tpu.memory_space<vmem>>, vector<16xf32>,
      %swap3A_510 = arith.index_cast %scan3A_423 : i32 to index
      %swap3A_511 = arith.constant 464 : index
      %swap3A_512 = tpu.vector_load %arg6[%swap3A_510, %swap3A_511] {strides = array<i32>} : memref<80x512xf32, #tpu.memory_space<vmem>>, vector<16xf32>,
      tpu.vector_store %arg6[%swap3A_510, %swap3A_511], %broadcast_in_dim3A_4 {strides = array<i32>} : memref<80x512xf32, #tpu.memory_space<vmem>>, vector<16xf32>,
      %swap3A_513 = arith.index_cast %scan3A_423 : i32 to index
      %swap3A_514 = arith.constant 480 : index
      %swap3A_515 = tpu.vector_load %arg6[%swap3A_513, %swap3A_514] {strides = array<i32>} : memref<80x512xf32, #tpu.memory_space<vmem>>, vector<16xf32>,
      tpu.vector_store %arg6[%swap3A_513, %swap3A_514], %broadcast_in_dim3A_4 {strides = array<i32>} : memref<80x512xf32, #tpu.memory_space<vmem>>, vector<16xf32>,
      %swap3A_516 = arith.index_cast %scan3A_423 : i32 to index
      %swap3A_517 = arith.constant 496 : index
      %swap3A_518 = tpu.vector_load %arg6[%swap3A_516, %swap3A_517] {strides = array<i32>} : memref<80x512xf32, #tpu.memory_space<vmem>>, vector<16xf32>,
      tpu.vector_store %arg6[%swap3A_516, %swap3A_517], %broadcast_in_dim3A_4 {strides = array<i32>} : memref<80x512xf32, #tpu.memory_space<vmem>>, vector<16xf32>,
    }
    %scan3A_34 = arith.constant 80 : i32
    %scan3A_35 = arith.constant 0 : i32
    %scan3A_36 = arith.constant 0 : i32
    %scan3A_37 = arith.constant 32 : i32
    %scan3A_38 = arith.addi %scan3A_36, %scan3A_37 : i32
    %scan3A_39 = arith.constant 1 : i32
    scf.for %scan3A_423 = %scan3A_36 to %scan3A_38 step %scan3A_39  : i32 {
      %mul3A_424 = arith.constant 16 : i32
      %mul3A_425 = arith.muli %scan3A_423, %mul3A_424 : i32
      %get3A = arith.index_cast %mul3A_425 : i32 to index
      %get3A_426 = tpu.vector_load %arg4[%get3A] {strides = array<i32>} : memref<512xi32, #tpu.memory_space<vmem>>, vector<16xi32>,
      %sub3A = arith.constant 80 : i32
      %sub3A_427 = vector.broadcast %sub3A : i32 to vector<16xi32>
      %sub3A_428 = arith.subi %get3A_426, %sub3A_427 : vector<16xi32>
      %ge3A = arith.constant 80 : i32
      %ge3A_429 = vector.broadcast %ge3A : i32 to vector<16xi32>
      %ge3A_430 = arith.cmpi sge, %get3A_426, %ge3A_429 : vector<16xi32>
      %lt3A = arith.constant 160 : i32
      %lt3A_431 = vector.broadcast %lt3A : i32 to vector<16xi32>
      %lt3A_432 = arith.cmpi slt, %get3A_426, %lt3A_431 : vector<16xi32>
      %and3A = arith.andi %ge3A_430, %lt3A_432 : vector<16xi1>
      %mul3A_433 = arith.constant 16 : i32
      %mul3A_434 = arith.muli %scan3A_423, %mul3A_433 : i32
      %add3A_435 = vector.broadcast %mul3A_434 : i32 to vector<16xi32>
      %add3A_436 = arith.addi %iota3A, %add3A_435 : vector<16xi32>
      tpu.vector_store_idx %arg6[%sub3A_428, %add3A_436], %broadcast_in_dim3A_6 masked %and3A : memref<80x512xf32, #tpu.memory_space<vmem>>[vector<16xi32>, vector<16xi32>], vector<16xf32>, vector<16xi1>
    }
    %scan3A_40 = arith.constant 32 : i32
    %dma_start3A_41 = arith.constant 0 : i32
    %dma_start3A_42 = arith.constant 0 : i32
    %dma_start3A_43 = tpu.memref_slice %arg6[%dma_start3A_41, %dma_start3A_42] : memref<80x512xf32, #tpu.memory_space<vmem>> -> memref<80x512xf32, #tpu.memory_space<vmem>>
    %dma_start3A_44 = arith.constant 80 : i32
    %dma_start3A_45 = tpu.memref_slice %arg3[%dma_start3A_44, %mul3A_2] : memref<1000x16384xf32, #tpu.memory_space<hbm>> -> memref<80x512xf32, #tpu.memory_space<hbm>>
    %dma_start3A_46 = arith.constant 80 : i32
    %dma_start3A_47 = tpu.memref_slice %arg3[%dma_start3A_46, %mul3A_2] : memref<1000x16384xf32, #tpu.memory_space<hbm>> -> memref<80x512xf32, #tpu.memory_space<hbm>>
    %dma_start3A_48 = arith.constant 0 : i32
    %dma_start3A_49 = arith.constant 0 : i32
    %dma_start3A_50 = tpu.memref_slice %arg6[%dma_start3A_48, %dma_start3A_49] : memref<80x512xf32, #tpu.memory_space<vmem>> -> memref<80x512xf32, #tpu.memory_space<vmem>>
    tpu.enqueue_dma source(%dma_start3A_50 : memref<80x512xf32, #tpu.memory_space<vmem>>) target(%dma_start3A_47 : memref<80x512xf32, #tpu.memory_space<hbm>>) target_semaphore(%arg9 : memref<!tpu.dma_semaphore, #tpu.memory_space<semaphore_mem>>)
    %scan3A_51 = arith.constant 0 : i32
    %scan3A_52 = arith.constant 0 : i32
    %scan3A_53 = arith.constant 80 : i32
    %scan3A_54 = arith.addi %scan3A_52, %scan3A_53 : i32
    %scan3A_55 = arith.constant 1 : i32
    scf.for %scan3A_423 = %scan3A_52 to %scan3A_54 step %scan3A_55  : i32 {
      %swap3A = arith.index_cast %scan3A_423 : i32 to index
      %swap3A_424 = arith.constant 0 : index
      %swap3A_425 = tpu.vector_load %arg7[%swap3A, %swap3A_424] {strides = array<i32>} : memref<80x512xf32, #tpu.memory_space<vmem>>, vector<16xf32>,
      tpu.vector_store %arg7[%swap3A, %swap3A_424], %broadcast_in_dim3A_4 {strides = array<i32>} : memref<80x512xf32, #tpu.memory_space<vmem>>, vector<16xf32>,
      %swap3A_426 = arith.index_cast %scan3A_423 : i32 to index
      %swap3A_427 = arith.constant 16 : index
      %swap3A_428 = tpu.vector_load %arg7[%swap3A_426, %swap3A_427] {strides = array<i32>} : memref<80x512xf32, #tpu.memory_space<vmem>>, vector<16xf32>,
      tpu.vector_store %arg7[%swap3A_426, %swap3A_427], %broadcast_in_dim3A_4 {strides = array<i32>} : memref<80x512xf32, #tpu.memory_space<vmem>>, vector<16xf32>,
      %swap3A_429 = arith.index_cast %scan3A_423 : i32 to index
      %swap3A_430 = arith.constant 32 : index
      %swap3A_431 = tpu.vector_load %arg7[%swap3A_429, %swap3A_430] {strides = array<i32>} : memref<80x512xf32, #tpu.memory_space<vmem>>, vector<16xf32>,
      tpu.vector_store %arg7[%swap3A_429, %swap3A_430], %broadcast_in_dim3A_4 {strides = array<i32>} : memref<80x512xf32, #tpu.memory_space<vmem>>, vector<16xf32>,
      %swap3A_432 = arith.index_cast %scan3A_423 : i32 to index
      %swap3A_433 = arith.constant 48 : index
      %swap3A_434 = tpu.vector_load %arg7[%swap3A_432, %swap3A_433] {strides = array<i32>} : memref<80x512xf32, #tpu.memory_space<vmem>>, vector<16xf32>,
      tpu.vector_store %arg7[%swap3A_432, %swap3A_433], %broadcast_in_dim3A_4 {strides = array<i32>} : memref<80x512xf32, #tpu.memory_space<vmem>>, vector<16xf32>,
      %swap3A_435 = arith.index_cast %scan3A_423 : i32 to index
      %swap3A_436 = arith.constant 64 : index
      %swap3A_437 = tpu.vector_load %arg7[%swap3A_435, %swap3A_436] {strides = array<i32>} : memref<80x512xf32, #tpu.memory_space<vmem>>, vector<16xf32>,
      tpu.vector_store %arg7[%swap3A_435, %swap3A_436], %broadcast_in_dim3A_4 {strides = array<i32>} : memref<80x512xf32, #tpu.memory_space<vmem>>, vector<16xf32>,
      %swap3A_438 = arith.index_cast %scan3A_423 : i32 to index
      %swap3A_439 = arith.constant 80 : index
      %swap3A_440 = tpu.vector_load %arg7[%swap3A_438, %swap3A_439] {strides = array<i32>} : memref<80x512xf32, #tpu.memory_space<vmem>>, vector<16xf32>,
      tpu.vector_store %arg7[%swap3A_438, %swap3A_439], %broadcast_in_dim3A_4 {strides = array<i32>} : memref<80x512xf32, #tpu.memory_space<vmem>>, vector<16xf32>,
      %swap3A_441 = arith.index_cast %scan3A_423 : i32 to index
      %swap3A_442 = arith.constant 96 : index
      %swap3A_443 = tpu.vector_load %arg7[%swap3A_441, %swap3A_442] {strides = array<i32>} : memref<80x512xf32, #tpu.memory_space<vmem>>, vector<16xf32>,
      tpu.vector_store %arg7[%swap3A_441, %swap3A_442], %broadcast_in_dim3A_4 {strides = array<i32>} : memref<80x512xf32, #tpu.memory_space<vmem>>, vector<16xf32>,
      %swap3A_444 = arith.index_cast %scan3A_423 : i32 to index
      %swap3A_445 = arith.constant 112 : index
      %swap3A_446 = tpu.vector_load %arg7[%swap3A_444, %swap3A_445] {strides = array<i32>} : memref<80x512xf32, #tpu.memory_space<vmem>>, vector<16xf32>,
      tpu.vector_store %arg7[%swap3A_444, %swap3A_445], %broadcast_in_dim3A_4 {strides = array<i32>} : memref<80x512xf32, #tpu.memory_space<vmem>>, vector<16xf32>,
      %swap3A_447 = arith.index_cast %scan3A_423 : i32 to index
      %swap3A_448 = arith.constant 128 : index
      %swap3A_449 = tpu.vector_load %arg7[%swap3A_447, %swap3A_448] {strides = array<i32>} : memref<80x512xf32, #tpu.memory_space<vmem>>, vector<16xf32>,
      tpu.vector_store %arg7[%swap3A_447, %swap3A_448], %broadcast_in_dim3A_4 {strides = array<i32>} : memref<80x512xf32, #tpu.memory_space<vmem>>, vector<16xf32>,
      %swap3A_450 = arith.index_cast %scan3A_423 : i32 to index
      %swap3A_451 = arith.constant 144 : index
      %swap3A_452 = tpu.vector_load %arg7[%swap3A_450, %swap3A_451] {strides = array<i32>} : memref<80x512xf32, #tpu.memory_space<vmem>>, vector<16xf32>,
      tpu.vector_store %arg7[%swap3A_450, %swap3A_451], %broadcast_in_dim3A_4 {strides = array<i32>} : memref<80x512xf32, #tpu.memory_space<vmem>>, vector<16xf32>,
      %swap3A_453 = arith.index_cast %scan3A_423 : i32 to index
      %swap3A_454 = arith.constant 160 : index
      %swap3A_455 = tpu.vector_load %arg7[%swap3A_453, %swap3A_454] {strides = array<i32>} : memref<80x512xf32, #tpu.memory_space<vmem>>, vector<16xf32>,
      tpu.vector_store %arg7[%swap3A_453, %swap3A_454], %broadcast_in_dim3A_4 {strides = array<i32>} : memref<80x512xf32, #tpu.memory_space<vmem>>, vector<16xf32>,
      %swap3A_456 = arith.index_cast %scan3A_423 : i32 to index
      %swap3A_457 = arith.constant 176 : index
      %swap3A_458 = tpu.vector_load %arg7[%swap3A_456, %swap3A_457] {strides = array<i32>} : memref<80x512xf32, #tpu.memory_space<vmem>>, vector<16xf32>,
      tpu.vector_store %arg7[%swap3A_456, %swap3A_457], %broadcast_in_dim3A_4 {strides = array<i32>} : memref<80x512xf32, #tpu.memory_space<vmem>>, vector<16xf32>,
      %swap3A_459 = arith.index_cast %scan3A_423 : i32 to index
      %swap3A_460 = arith.constant 192 : index
      %swap3A_461 = tpu.vector_load %arg7[%swap3A_459, %swap3A_460] {strides = array<i32>} : memref<80x512xf32, #tpu.memory_space<vmem>>, vector<16xf32>,
      tpu.vector_store %arg7[%swap3A_459, %swap3A_460], %broadcast_in_dim3A_4 {strides = array<i32>} : memref<80x512xf32, #tpu.memory_space<vmem>>, vector<16xf32>,
      %swap3A_462 = arith.index_cast %scan3A_423 : i32 to index
      %swap3A_463 = arith.constant 208 : index
      %swap3A_464 = tpu.vector_load %arg7[%swap3A_462, %swap3A_463] {strides = array<i32>} : memref<80x512xf32, #tpu.memory_space<vmem>>, vector<16xf32>,
      tpu.vector_store %arg7[%swap3A_462, %swap3A_463], %broadcast_in_dim3A_4 {strides = array<i32>} : memref<80x512xf32, #tpu.memory_space<vmem>>, vector<16xf32>,
      %swap3A_465 = arith.index_cast %scan3A_423 : i32 to index
      %swap3A_466 = arith.constant 224 : index
      %swap3A_467 = tpu.vector_load %arg7[%swap3A_465, %swap3A_466] {strides = array<i32>} : memref<80x512xf32, #tpu.memory_space<vmem>>, vector<16xf32>,
      tpu.vector_store %arg7[%swap3A_465, %swap3A_466], %broadcast_in_dim3A_4 {strides = array<i32>} : memref<80x512xf32, #tpu.memory_space<vmem>>, vector<16xf32>,
      %swap3A_468 = arith.index_cast %scan3A_423 : i32 to index
      %swap3A_469 = arith.constant 240 : index
      %swap3A_470 = tpu.vector_load %arg7[%swap3A_468, %swap3A_469] {strides = array<i32>} : memref<80x512xf32, #tpu.memory_space<vmem>>, vector<16xf32>,
      tpu.vector_store %arg7[%swap3A_468, %swap3A_469], %broadcast_in_dim3A_4 {strides = array<i32>} : memref<80x512xf32, #tpu.memory_space<vmem>>, vector<16xf32>,
      %swap3A_471 = arith.index_cast %scan3A_423 : i32 to index
      %swap3A_472 = arith.constant 256 : index
      %swap3A_473 = tpu.vector_load %arg7[%swap3A_471, %swap3A_472] {strides = array<i32>} : memref<80x512xf32, #tpu.memory_space<vmem>>, vector<16xf32>,
      tpu.vector_store %arg7[%swap3A_471, %swap3A_472], %broadcast_in_dim3A_4 {strides = array<i32>} : memref<80x512xf32, #tpu.memory_space<vmem>>, vector<16xf32>,
      %swap3A_474 = arith.index_cast %scan3A_423 : i32 to index
      %swap3A_475 = arith.constant 272 : index
      %swap3A_476 = tpu.vector_load %arg7[%swap3A_474, %swap3A_475] {strides = array<i32>} : memref<80x512xf32, #tpu.memory_space<vmem>>, vector<16xf32>,
      tpu.vector_store %arg7[%swap3A_474, %swap3A_475], %broadcast_in_dim3A_4 {strides = array<i32>} : memref<80x512xf32, #tpu.memory_space<vmem>>, vector<16xf32>,
      %swap3A_477 = arith.index_cast %scan3A_423 : i32 to index
      %swap3A_478 = arith.constant 288 : index
      %swap3A_479 = tpu.vector_load %arg7[%swap3A_477, %swap3A_478] {strides = array<i32>} : memref<80x512xf32, #tpu.memory_space<vmem>>, vector<16xf32>,
      tpu.vector_store %arg7[%swap3A_477, %swap3A_478], %broadcast_in_dim3A_4 {strides = array<i32>} : memref<80x512xf32, #tpu.memory_space<vmem>>, vector<16xf32>,
      %swap3A_480 = arith.index_cast %scan3A_423 : i32 to index
      %swap3A_481 = arith.constant 304 : index
      %swap3A_482 = tpu.vector_load %arg7[%swap3A_480, %swap3A_481] {strides = array<i32>} : memref<80x512xf32, #tpu.memory_space<vmem>>, vector<16xf32>,
      tpu.vector_store %arg7[%swap3A_480, %swap3A_481], %broadcast_in_dim3A_4 {strides = array<i32>} : memref<80x512xf32, #tpu.memory_space<vmem>>, vector<16xf32>,
      %swap3A_483 = arith.index_cast %scan3A_423 : i32 to index
      %swap3A_484 = arith.constant 320 : index
      %swap3A_485 = tpu.vector_load %arg7[%swap3A_483, %swap3A_484] {strides = array<i32>} : memref<80x512xf32, #tpu.memory_space<vmem>>, vector<16xf32>,
      tpu.vector_store %arg7[%swap3A_483, %swap3A_484], %broadcast_in_dim3A_4 {strides = array<i32>} : memref<80x512xf32, #tpu.memory_space<vmem>>, vector<16xf32>,
      %swap3A_486 = arith.index_cast %scan3A_423 : i32 to index
      %swap3A_487 = arith.constant 336 : index
      %swap3A_488 = tpu.vector_load %arg7[%swap3A_486, %swap3A_487] {strides = array<i32>} : memref<80x512xf32, #tpu.memory_space<vmem>>, vector<16xf32>,
      tpu.vector_store %arg7[%swap3A_486, %swap3A_487], %broadcast_in_dim3A_4 {strides = array<i32>} : memref<80x512xf32, #tpu.memory_space<vmem>>, vector<16xf32>,
      %swap3A_489 = arith.index_cast %scan3A_423 : i32 to index
      %swap3A_490 = arith.constant 352 : index
      %swap3A_491 = tpu.vector_load %arg7[%swap3A_489, %swap3A_490] {strides = array<i32>} : memref<80x512xf32, #tpu.memory_space<vmem>>, vector<16xf32>,
      tpu.vector_store %arg7[%swap3A_489, %swap3A_490], %broadcast_in_dim3A_4 {strides = array<i32>} : memref<80x512xf32, #tpu.memory_space<vmem>>, vector<16xf32>,
      %swap3A_492 = arith.index_cast %scan3A_423 : i32 to index
      %swap3A_493 = arith.constant 368 : index
      %swap3A_494 = tpu.vector_load %arg7[%swap3A_492, %swap3A_493] {strides = array<i32>} : memref<80x512xf32, #tpu.memory_space<vmem>>, vector<16xf32>,
      tpu.vector_store %arg7[%swap3A_492, %swap3A_493], %broadcast_in_dim3A_4 {strides = array<i32>} : memref<80x512xf32, #tpu.memory_space<vmem>>, vector<16xf32>,
      %swap3A_495 = arith.index_cast %scan3A_423 : i32 to index
      %swap3A_496 = arith.constant 384 : index
      %swap3A_497 = tpu.vector_load %arg7[%swap3A_495, %swap3A_496] {strides = array<i32>} : memref<80x512xf32, #tpu.memory_space<vmem>>, vector<16xf32>,
      tpu.vector_store %arg7[%swap3A_495, %swap3A_496], %broadcast_in_dim3A_4 {strides = array<i32>} : memref<80x512xf32, #tpu.memory_space<vmem>>, vector<16xf32>,
      %swap3A_498 = arith.index_cast %scan3A_423 : i32 to index
      %swap3A_499 = arith.constant 400 : index
      %swap3A_500 = tpu.vector_load %arg7[%swap3A_498, %swap3A_499] {strides = array<i32>} : memref<80x512xf32, #tpu.memory_space<vmem>>, vector<16xf32>,
      tpu.vector_store %arg7[%swap3A_498, %swap3A_499], %broadcast_in_dim3A_4 {strides = array<i32>} : memref<80x512xf32, #tpu.memory_space<vmem>>, vector<16xf32>,
      %swap3A_501 = arith.index_cast %scan3A_423 : i32 to index
      %swap3A_502 = arith.constant 416 : index
      %swap3A_503 = tpu.vector_load %arg7[%swap3A_501, %swap3A_502] {strides = array<i32>} : memref<80x512xf32, #tpu.memory_space<vmem>>, vector<16xf32>,
      tpu.vector_store %arg7[%swap3A_501, %swap3A_502], %broadcast_in_dim3A_4 {strides = array<i32>} : memref<80x512xf32, #tpu.memory_space<vmem>>, vector<16xf32>,
      %swap3A_504 = arith.index_cast %scan3A_423 : i32 to index
      %swap3A_505 = arith.constant 432 : index
      %swap3A_506 = tpu.vector_load %arg7[%swap3A_504, %swap3A_505] {strides = array<i32>} : memref<80x512xf32, #tpu.memory_space<vmem>>, vector<16xf32>,
      tpu.vector_store %arg7[%swap3A_504, %swap3A_505], %broadcast_in_dim3A_4 {strides = array<i32>} : memref<80x512xf32, #tpu.memory_space<vmem>>, vector<16xf32>,
      %swap3A_507 = arith.index_cast %scan3A_423 : i32 to index
      %swap3A_508 = arith.constant 448 : index
      %swap3A_509 = tpu.vector_load %arg7[%swap3A_507, %swap3A_508] {strides = array<i32>} : memref<80x512xf32, #tpu.memory_space<vmem>>, vector<16xf32>,
      tpu.vector_store %arg7[%swap3A_507, %swap3A_508], %broadcast_in_dim3A_4 {strides = array<i32>} : memref<80x512xf32, #tpu.memory_space<vmem>>, vector<16xf32>,
      %swap3A_510 = arith.index_cast %scan3A_423 : i32 to index
      %swap3A_511 = arith.constant 464 : index
      %swap3A_512 = tpu.vector_load %arg7[%swap3A_510, %swap3A_511] {strides = array<i32>} : memref<80x512xf32, #tpu.memory_space<vmem>>, vector<16xf32>,
      tpu.vector_store %arg7[%swap3A_510, %swap3A_511], %broadcast_in_dim3A_4 {strides = array<i32>} : memref<80x512xf32, #tpu.memory_space<vmem>>, vector<16xf32>,
      %swap3A_513 = arith.index_cast %scan3A_423 : i32 to index
      %swap3A_514 = arith.constant 480 : index
      %swap3A_515 = tpu.vector_load %arg7[%swap3A_513, %swap3A_514] {strides = array<i32>} : memref<80x512xf32, #tpu.memory_space<vmem>>, vector<16xf32>,
      tpu.vector_store %arg7[%swap3A_513, %swap3A_514], %broadcast_in_dim3A_4 {strides = array<i32>} : memref<80x512xf32, #tpu.memory_space<vmem>>, vector<16xf32>,
      %swap3A_516 = arith.index_cast %scan3A_423 : i32 to index
      %swap3A_517 = arith.constant 496 : index
      %swap3A_518 = tpu.vector_load %arg7[%swap3A_516, %swap3A_517] {strides = array<i32>} : memref<80x512xf32, #tpu.memory_space<vmem>>, vector<16xf32>,
      tpu.vector_store %arg7[%swap3A_516, %swap3A_517], %broadcast_in_dim3A_4 {strides = array<i32>} : memref<80x512xf32, #tpu.memory_space<vmem>>, vector<16xf32>,
    }
    %scan3A_56 = arith.constant 80 : i32
    %scan3A_57 = arith.constant 0 : i32
    %scan3A_58 = arith.constant 0 : i32
    %scan3A_59 = arith.constant 32 : i32
    %scan3A_60 = arith.addi %scan3A_58, %scan3A_59 : i32
    %scan3A_61 = arith.constant 1 : i32
    scf.for %scan3A_423 = %scan3A_58 to %scan3A_60 step %scan3A_61  : i32 {
      %mul3A_424 = arith.constant 16 : i32
      %mul3A_425 = arith.muli %scan3A_423, %mul3A_424 : i32
      %get3A = arith.index_cast %mul3A_425 : i32 to index
      %get3A_426 = tpu.vector_load %arg4[%get3A] {strides = array<i32>} : memref<512xi32, #tpu.memory_space<vmem>>, vector<16xi32>,
      %sub3A = arith.constant 160 : i32
      %sub3A_427 = vector.broadcast %sub3A : i32 to vector<16xi32>
      %sub3A_428 = arith.subi %get3A_426, %sub3A_427 : vector<16xi32>
      %ge3A = arith.constant 160 : i32
      %ge3A_429 = vector.broadcast %ge3A : i32 to vector<16xi32>
      %ge3A_430 = arith.cmpi sge, %get3A_426, %ge3A_429 : vector<16xi32>
      %lt3A = arith.constant 240 : i32
      %lt3A_431 = vector.broadcast %lt3A : i32 to vector<16xi32>
      %lt3A_432 = arith.cmpi slt, %get3A_426, %lt3A_431 : vector<16xi32>
      %and3A = arith.andi %ge3A_430, %lt3A_432 : vector<16xi1>
      %mul3A_433 = arith.constant 16 : i32
      %mul3A_434 = arith.muli %scan3A_423, %mul3A_433 : i32
      %add3A_435 = vector.broadcast %mul3A_434 : i32 to vector<16xi32>
      %add3A_436 = arith.addi %iota3A, %add3A_435 : vector<16xi32>
      tpu.vector_store_idx %arg7[%sub3A_428, %add3A_436], %broadcast_in_dim3A_6 masked %and3A : memref<80x512xf32, #tpu.memory_space<vmem>>[vector<16xi32>, vector<16xi32>], vector<16xf32>, vector<16xi1>
    }
    %scan3A_62 = arith.constant 32 : i32
    %dma_start3A_63 = arith.constant 0 : i32
    %dma_start3A_64 = arith.constant 0 : i32
    %dma_start3A_65 = tpu.memref_slice %arg7[%dma_start3A_63, %dma_start3A_64] : memref<80x512xf32, #tpu.memory_space<vmem>> -> memref<80x512xf32, #tpu.memory_space<vmem>>
    %dma_start3A_66 = arith.constant 160 : i32
    %dma_start3A_67 = tpu.memref_slice %arg3[%dma_start3A_66, %mul3A_2] : memref<1000x16384xf32, #tpu.memory_space<hbm>> -> memref<80x512xf32, #tpu.memory_space<hbm>>
    %dma_start3A_68 = arith.constant 160 : i32
    %dma_start3A_69 = tpu.memref_slice %arg3[%dma_start3A_68, %mul3A_2] : memref<1000x16384xf32, #tpu.memory_space<hbm>> -> memref<80x512xf32, #tpu.memory_space<hbm>>
    %dma_start3A_70 = arith.constant 0 : i32
    %dma_start3A_71 = arith.constant 0 : i32
    %dma_start3A_72 = tpu.memref_slice %arg7[%dma_start3A_70, %dma_start3A_71] : memref<80x512xf32, #tpu.memory_space<vmem>> -> memref<80x512xf32, #tpu.memory_space<vmem>>
    tpu.enqueue_dma source(%dma_start3A_72 : memref<80x512xf32, #tpu.memory_space<vmem>>) target(%dma_start3A_69 : memref<80x512xf32, #tpu.memory_space<hbm>>) target_semaphore(%arg10 : memref<!tpu.dma_semaphore, #tpu.memory_space<semaphore_mem>>)
    %dma_wait3A_73 = arith.constant 0 : i32
    %dma_wait3A_74 = arith.constant 0 : i32
    %dma_wait3A_75 = tpu.memref_slice %arg5[%dma_wait3A_73, %dma_wait3A_74] : memref<80x512xf32, #tpu.memory_space<vmem>> -> memref<80x512xf32, #tpu.memory_space<vmem>>
    %dma_wait3A_76 = arith.constant 0 : i32
    %dma_wait3A_77 = tpu.memref_slice %arg3[%dma_wait3A_76, %mul3A_2] : memref<1000x16384xf32, #tpu.memory_space<hbm>> -> memref<80x512xf32, #tpu.memory_space<hbm>>
    %dma_wait3A_78 = arith.constant 0 : i32
    %dma_wait3A_79 = tpu.memref_slice %arg3[%dma_wait3A_78, %mul3A_2] : memref<1000x16384xf32, #tpu.memory_space<hbm>> -> memref<80x512xf32, #tpu.memory_space<hbm>>
    %dma_wait3A_80 = arith.constant 0 : i32
    %dma_wait3A_81 = arith.constant 0 : i32
    %dma_wait3A_82 = tpu.memref_slice %arg5[%dma_wait3A_80, %dma_wait3A_81] : memref<80x512xf32, #tpu.memory_space<vmem>> -> memref<80x512xf32, #tpu.memory_space<vmem>>
    tpu.wait_dma2 semaphore(%arg8 : memref<!tpu.dma_semaphore, #tpu.memory_space<semaphore_mem>>) src(%dma_wait3A_82 : memref<80x512xf32, #tpu.memory_space<vmem>>) dst(%dma_wait3A_79 : memref<80x512xf32, #tpu.memory_space<hbm>>)
    %scan3A_83 = arith.constant 0 : i32
    %scan3A_84 = arith.constant 0 : i32
    %scan3A_85 = arith.constant 32 : i32
    %scan3A_86 = arith.addi %scan3A_84, %scan3A_85 : i32
    %scan3A_87 = arith.constant 1 : i32
    scf.for %scan3A_423 = %scan3A_84 to %scan3A_86 step %scan3A_87  : i32 {
      %mul3A_424 = arith.constant 16 : i32
      %mul3A_425 = arith.muli %scan3A_423, %mul3A_424 : i32
      %get3A = arith.index_cast %mul3A_425 : i32 to index
      %get3A_426 = tpu.vector_load %arg4[%get3A] {strides = array<i32>} : memref<512xi32, #tpu.memory_space<vmem>>, vector<16xi32>,
      %sub3A = arith.constant 0 : i32
      %sub3A_427 = vector.broadcast %sub3A : i32 to vector<16xi32>
      %sub3A_428 = arith.subi %get3A_426, %sub3A_427 : vector<16xi32>
      %ge3A = arith.constant 0 : i32
      %ge3A_429 = vector.broadcast %ge3A : i32 to vector<16xi32>
      %ge3A_430 = arith.cmpi sge, %get3A_426, %ge3A_429 : vector<16xi32>
      %lt3A = arith.constant 80 : i32
      %lt3A_431 = vector.broadcast %lt3A : i32 to vector<16xi32>
      %lt3A_432 = arith.cmpi slt, %get3A_426, %lt3A_431 : vector<16xi32>
      %and3A = arith.andi %ge3A_430, %lt3A_432 : vector<16xi1>
      %mul3A_433 = arith.constant 16 : i32
      %mul3A_434 = arith.muli %scan3A_423, %mul3A_433 : i32
      %add3A_435 = vector.broadcast %mul3A_434 : i32 to vector<16xi32>
      %add3A_436 = arith.addi %iota3A, %add3A_435 : vector<16xi32>
      tpu.vector_store_idx %arg5[%sub3A_428, %add3A_436], %broadcast_in_dim3A_4 masked %and3A : memref<80x512xf32, #tpu.memory_space<vmem>>[vector<16xi32>, vector<16xi32>], vector<16xf32>, vector<16xi1>
    }
    %scan3A_88 = arith.constant 32 : i32
    %scan3A_89 = arith.constant 0 : i32
    %scan3A_90 = arith.constant 0 : i32
    %scan3A_91 = arith.constant 32 : i32
    %scan3A_92 = arith.addi %scan3A_90, %scan3A_91 : i32
    %scan3A_93 = arith.constant 1 : i32
    scf.for %scan3A_423 = %scan3A_90 to %scan3A_92 step %scan3A_93  : i32 {
      %mul3A_424 = arith.constant 16 : i32
      %mul3A_425 = arith.muli %scan3A_423, %mul3A_424 : i32
      %get3A = arith.index_cast %mul3A_425 : i32 to index
      %get3A_426 = tpu.vector_load %arg4[%get3A] {strides = array<i32>} : memref<512xi32, #tpu.memory_space<vmem>>, vector<16xi32>,
      %sub3A = arith.constant 240 : i32
      %sub3A_427 = vector.broadcast %sub3A : i32 to vector<16xi32>
      %sub3A_428 = arith.subi %get3A_426, %sub3A_427 : vector<16xi32>
      %ge3A = arith.constant 240 : i32
      %ge3A_429 = vector.broadcast %ge3A : i32 to vector<16xi32>
      %ge3A_430 = arith.cmpi sge, %get3A_426, %ge3A_429 : vector<16xi32>
      %lt3A = arith.constant 320 : i32
      %lt3A_431 = vector.broadcast %lt3A : i32 to vector<16xi32>
      %lt3A_432 = arith.cmpi slt, %get3A_426, %lt3A_431 : vector<16xi32>
      %and3A = arith.andi %ge3A_430, %lt3A_432 : vector<16xi1>
      %mul3A_433 = arith.constant 16 : i32
      %mul3A_434 = arith.muli %scan3A_423, %mul3A_433 : i32
      %add3A_435 = vector.broadcast %mul3A_434 : i32 to vector<16xi32>
      %add3A_436 = arith.addi %iota3A, %add3A_435 : vector<16xi32>
      tpu.vector_store_idx %arg5[%sub3A_428, %add3A_436], %broadcast_in_dim3A_6 masked %and3A : memref<80x512xf32, #tpu.memory_space<vmem>>[vector<16xi32>, vector<16xi32>], vector<16xf32>, vector<16xi1>
    }
    %scan3A_94 = arith.constant 32 : i32
    %dma_start3A_95 = arith.constant 0 : i32
    %dma_start3A_96 = arith.constant 0 : i32
    %dma_start3A_97 = tpu.memref_slice %arg5[%dma_start3A_95, %dma_start3A_96] : memref<80x512xf32, #tpu.memory_space<vmem>> -> memref<80x512xf32, #tpu.memory_space<vmem>>
    %dma_start3A_98 = arith.constant 240 : i32
    %dma_start3A_99 = tpu.memref_slice %arg3[%dma_start3A_98, %mul3A_2] : memref<1000x16384xf32, #tpu.memory_space<hbm>> -> memref<80x512xf32, #tpu.memory_space<hbm>>
    %dma_start3A_100 = arith.constant 240 : i32
    %dma_start3A_101 = tpu.memref_slice %arg3[%dma_start3A_100, %mul3A_2] : memref<1000x16384xf32, #tpu.memory_space<hbm>> -> memref<80x512xf32, #tpu.memory_space<hbm>>
    %dma_start3A_102 = arith.constant 0 : i32
    %dma_start3A_103 = arith.constant 0 : i32
    %dma_start3A_104 = tpu.memref_slice %arg5[%dma_start3A_102, %dma_start3A_103] : memref<80x512xf32, #tpu.memory_space<vmem>> -> memref<80x512xf32, #tpu.memory_space<vmem>>
    tpu.enqueue_dma source(%dma_start3A_104 : memref<80x512xf32, #tpu.memory_space<vmem>>) target(%dma_start3A_101 : memref<80x512xf32, #tpu.memory_space<hbm>>) target_semaphore(%arg8 : memref<!tpu.dma_semaphore, #tpu.memory_space<semaphore_mem>>)
    %dma_wait3A_105 = arith.constant 0 : i32
    %dma_wait3A_106 = arith.constant 0 : i32
    %dma_wait3A_107 = tpu.memref_slice %arg6[%dma_wait3A_105, %dma_wait3A_106] : memref<80x512xf32, #tpu.memory_space<vmem>> -> memref<80x512xf32, #tpu.memory_space<vmem>>
    %dma_wait3A_108 = arith.constant 80 : i32
    %dma_wait3A_109 = tpu.memref_slice %arg3[%dma_wait3A_108, %mul3A_2] : memref<1000x16384xf32, #tpu.memory_space<hbm>> -> memref<80x512xf32, #tpu.memory_space<hbm>>
    %dma_wait3A_110 = arith.constant 80 : i32
    %dma_wait3A_111 = tpu.memref_slice %arg3[%dma_wait3A_110, %mul3A_2] : memref<1000x16384xf32, #tpu.memory_space<hbm>> -> memref<80x512xf32, #tpu.memory_space<hbm>>
    %dma_wait3A_112 = arith.constant 0 : i32
    %dma_wait3A_113 = arith.constant 0 : i32
    %dma_wait3A_114 = tpu.memref_slice %arg6[%dma_wait3A_112, %dma_wait3A_113] : memref<80x512xf32, #tpu.memory_space<vmem>> -> memref<80x512xf32, #tpu.memory_space<vmem>>
    tpu.wait_dma2 semaphore(%arg9 : memref<!tpu.dma_semaphore, #tpu.memory_space<semaphore_mem>>) src(%dma_wait3A_114 : memref<80x512xf32, #tpu.memory_space<vmem>>) dst(%dma_wait3A_111 : memref<80x512xf32, #tpu.memory_space<hbm>>)
    %scan3A_115 = arith.constant 0 : i32
    %scan3A_116 = arith.constant 0 : i32
    %scan3A_117 = arith.constant 32 : i32
    %scan3A_118 = arith.addi %scan3A_116, %scan3A_117 : i32
    %scan3A_119 = arith.constant 1 : i32
    scf.for %scan3A_423 = %scan3A_116 to %scan3A_118 step %scan3A_119  : i32 {
      %mul3A_424 = arith.constant 16 : i32
      %mul3A_425 = arith.muli %scan3A_423, %mul3A_424 : i32
      %get3A = arith.index_cast %mul3A_425 : i32 to index
      %get3A_426 = tpu.vector_load %arg4[%get3A] {strides = array<i32>} : memref<512xi32, #tpu.memory_space<vmem>>, vector<16xi32>,
      %sub3A = arith.constant 80 : i32
      %sub3A_427 = vector.broadcast %sub3A : i32 to vector<16xi32>
      %sub3A_428 = arith.subi %get3A_426, %sub3A_427 : vector<16xi32>
      %ge3A = arith.constant 80 : i32
      %ge3A_429 = vector.broadcast %ge3A : i32 to vector<16xi32>
      %ge3A_430 = arith.cmpi sge, %get3A_426, %ge3A_429 : vector<16xi32>
      %lt3A = arith.constant 160 : i32
      %lt3A_431 = vector.broadcast %lt3A : i32 to vector<16xi32>
      %lt3A_432 = arith.cmpi slt, %get3A_426, %lt3A_431 : vector<16xi32>
      %and3A = arith.andi %ge3A_430, %lt3A_432 : vector<16xi1>
      %mul3A_433 = arith.constant 16 : i32
      %mul3A_434 = arith.muli %scan3A_423, %mul3A_433 : i32
      %add3A_435 = vector.broadcast %mul3A_434 : i32 to vector<16xi32>
      %add3A_436 = arith.addi %iota3A, %add3A_435 : vector<16xi32>
      tpu.vector_store_idx %arg6[%sub3A_428, %add3A_436], %broadcast_in_dim3A_4 masked %and3A : memref<80x512xf32, #tpu.memory_space<vmem>>[vector<16xi32>, vector<16xi32>], vector<16xf32>, vector<16xi1>
    }
    %scan3A_120 = arith.constant 32 : i32
    %scan3A_121 = arith.constant 0 : i32
    %scan3A_122 = arith.constant 0 : i32
    %scan3A_123 = arith.constant 32 : i32
    %scan3A_124 = arith.addi %scan3A_122, %scan3A_123 : i32
    %scan3A_125 = arith.constant 1 : i32
    scf.for %scan3A_423 = %scan3A_122 to %scan3A_124 step %scan3A_125  : i32 {
      %mul3A_424 = arith.constant 16 : i32
      %mul3A_425 = arith.muli %scan3A_423, %mul3A_424 : i32
      %get3A = arith.index_cast %mul3A_425 : i32 to index
      %get3A_426 = tpu.vector_load %arg4[%get3A] {strides = array<i32>} : memref<512xi32, #tpu.memory_space<vmem>>, vector<16xi32>,
      %sub3A = arith.constant 320 : i32
      %sub3A_427 = vector.broadcast %sub3A : i32 to vector<16xi32>
      %sub3A_428 = arith.subi %get3A_426, %sub3A_427 : vector<16xi32>
      %ge3A = arith.constant 320 : i32
      %ge3A_429 = vector.broadcast %ge3A : i32 to vector<16xi32>
      %ge3A_430 = arith.cmpi sge, %get3A_426, %ge3A_429 : vector<16xi32>
      %lt3A = arith.constant 400 : i32
      %lt3A_431 = vector.broadcast %lt3A : i32 to vector<16xi32>
      %lt3A_432 = arith.cmpi slt, %get3A_426, %lt3A_431 : vector<16xi32>
      %and3A = arith.andi %ge3A_430, %lt3A_432 : vector<16xi1>
      %mul3A_433 = arith.constant 16 : i32
      %mul3A_434 = arith.muli %scan3A_423, %mul3A_433 : i32
      %add3A_435 = vector.broadcast %mul3A_434 : i32 to vector<16xi32>
      %add3A_436 = arith.addi %iota3A, %add3A_435 : vector<16xi32>
      tpu.vector_store_idx %arg6[%sub3A_428, %add3A_436], %broadcast_in_dim3A_6 masked %and3A : memref<80x512xf32, #tpu.memory_space<vmem>>[vector<16xi32>, vector<16xi32>], vector<16xf32>, vector<16xi1>
    }
    %scan3A_126 = arith.constant 32 : i32
    %dma_start3A_127 = arith.constant 0 : i32
    %dma_start3A_128 = arith.constant 0 : i32
    %dma_start3A_129 = tpu.memref_slice %arg6[%dma_start3A_127, %dma_start3A_128] : memref<80x512xf32, #tpu.memory_space<vmem>> -> memref<80x512xf32, #tpu.memory_space<vmem>>
    %dma_start3A_130 = arith.constant 320 : i32
    %dma_start3A_131 = tpu.memref_slice %arg3[%dma_start3A_130, %mul3A_2] : memref<1000x16384xf32, #tpu.memory_space<hbm>> -> memref<80x512xf32, #tpu.memory_space<hbm>>
    %dma_start3A_132 = arith.constant 320 : i32
    %dma_start3A_133 = tpu.memref_slice %arg3[%dma_start3A_132, %mul3A_2] : memref<1000x16384xf32, #tpu.memory_space<hbm>> -> memref<80x512xf32, #tpu.memory_space<hbm>>
    %dma_start3A_134 = arith.constant 0 : i32
    %dma_start3A_135 = arith.constant 0 : i32
    %dma_start3A_136 = tpu.memref_slice %arg6[%dma_start3A_134, %dma_start3A_135] : memref<80x512xf32, #tpu.memory_space<vmem>> -> memref<80x512xf32, #tpu.memory_space<vmem>>
    tpu.enqueue_dma source(%dma_start3A_136 : memref<80x512xf32, #tpu.memory_space<vmem>>) target(%dma_start3A_133 : memref<80x512xf32, #tpu.memory_space<hbm>>) target_semaphore(%arg9 : memref<!tpu.dma_semaphore, #tpu.memory_space<semaphore_mem>>)
    %dma_wait3A_137 = arith.constant 0 : i32
    %dma_wait3A_138 = arith.constant 0 : i32
    %dma_wait3A_139 = tpu.memref_slice %arg7[%dma_wait3A_137, %dma_wait3A_138] : memref<80x512xf32, #tpu.memory_space<vmem>> -> memref<80x512xf32, #tpu.memory_space<vmem>>
    %dma_wait3A_140 = arith.constant 160 : i32
    %dma_wait3A_141 = tpu.memref_slice %arg3[%dma_wait3A_140, %mul3A_2] : memref<1000x16384xf32, #tpu.memory_space<hbm>> -> memref<80x512xf32, #tpu.memory_space<hbm>>
    %dma_wait3A_142 = arith.constant 160 : i32
    %dma_wait3A_143 = tpu.memref_slice %arg3[%dma_wait3A_142, %mul3A_2] : memref<1000x16384xf32, #tpu.memory_space<hbm>> -> memref<80x512xf32, #tpu.memory_space<hbm>>
    %dma_wait3A_144 = arith.constant 0 : i32
    %dma_wait3A_145 = arith.constant 0 : i32
    %dma_wait3A_146 = tpu.memref_slice %arg7[%dma_wait3A_144, %dma_wait3A_145] : memref<80x512xf32, #tpu.memory_space<vmem>> -> memref<80x512xf32, #tpu.memory_space<vmem>>
    tpu.wait_dma2 semaphore(%arg10 : memref<!tpu.dma_semaphore, #tpu.memory_space<semaphore_mem>>) src(%dma_wait3A_146 : memref<80x512xf32, #tpu.memory_space<vmem>>) dst(%dma_wait3A_143 : memref<80x512xf32, #tpu.memory_space<hbm>>)
    %scan3A_147 = arith.constant 0 : i32
    %scan3A_148 = arith.constant 0 : i32
    %scan3A_149 = arith.constant 32 : i32
    %scan3A_150 = arith.addi %scan3A_148, %scan3A_149 : i32
    %scan3A_151 = arith.constant 1 : i32
    scf.for %scan3A_423 = %scan3A_148 to %scan3A_150 step %scan3A_151  : i32 {
      %mul3A_424 = arith.constant 16 : i32
      %mul3A_425 = arith.muli %scan3A_423, %mul3A_424 : i32
      %get3A = arith.index_cast %mul3A_425 : i32 to index
      %get3A_426 = tpu.vector_load %arg4[%get3A] {strides = array<i32>} : memref<512xi32, #tpu.memory_space<vmem>>, vector<16xi32>,
      %sub3A = arith.constant 160 : i32
      %sub3A_427 = vector.broadcast %sub3A : i32 to vector<16xi32>
      %sub3A_428 = arith.subi %get3A_426, %sub3A_427 : vector<16xi32>
      %ge3A = arith.constant 160 : i32
      %ge3A_429 = vector.broadcast %ge3A : i32 to vector<16xi32>
      %ge3A_430 = arith.cmpi sge, %get3A_426, %ge3A_429 : vector<16xi32>
      %lt3A = arith.constant 240 : i32
      %lt3A_431 = vector.broadcast %lt3A : i32 to vector<16xi32>
      %lt3A_432 = arith.cmpi slt, %get3A_426, %lt3A_431 : vector<16xi32>
      %and3A = arith.andi %ge3A_430, %lt3A_432 : vector<16xi1>
      %mul3A_433 = arith.constant 16 : i32
      %mul3A_434 = arith.muli %scan3A_423, %mul3A_433 : i32
      %add3A_435 = vector.broadcast %mul3A_434 : i32 to vector<16xi32>
      %add3A_436 = arith.addi %iota3A, %add3A_435 : vector<16xi32>
      tpu.vector_store_idx %arg7[%sub3A_428, %add3A_436], %broadcast_in_dim3A_4 masked %and3A : memref<80x512xf32, #tpu.memory_space<vmem>>[vector<16xi32>, vector<16xi32>], vector<16xf32>, vector<16xi1>
    }
    %scan3A_152 = arith.constant 32 : i32
    %scan3A_153 = arith.constant 0 : i32
    %scan3A_154 = arith.constant 0 : i32
    %scan3A_155 = arith.constant 32 : i32
    %scan3A_156 = arith.addi %scan3A_154, %scan3A_155 : i32
    %scan3A_157 = arith.constant 1 : i32
    scf.for %scan3A_423 = %scan3A_154 to %scan3A_156 step %scan3A_157  : i32 {
      %mul3A_424 = arith.constant 16 : i32
      %mul3A_425 = arith.muli %scan3A_423, %mul3A_424 : i32
      %get3A = arith.index_cast %mul3A_425 : i32 to index
      %get3A_426 = tpu.vector_load %arg4[%get3A] {strides = array<i32>} : memref<512xi32, #tpu.memory_space<vmem>>, vector<16xi32>,
      %sub3A = arith.constant 400 : i32
      %sub3A_427 = vector.broadcast %sub3A : i32 to vector<16xi32>
      %sub3A_428 = arith.subi %get3A_426, %sub3A_427 : vector<16xi32>
      %ge3A = arith.constant 400 : i32
      %ge3A_429 = vector.broadcast %ge3A : i32 to vector<16xi32>
      %ge3A_430 = arith.cmpi sge, %get3A_426, %ge3A_429 : vector<16xi32>
      %lt3A = arith.constant 480 : i32
      %lt3A_431 = vector.broadcast %lt3A : i32 to vector<16xi32>
      %lt3A_432 = arith.cmpi slt, %get3A_426, %lt3A_431 : vector<16xi32>
      %and3A = arith.andi %ge3A_430, %lt3A_432 : vector<16xi1>
      %mul3A_433 = arith.constant 16 : i32
      %mul3A_434 = arith.muli %scan3A_423, %mul3A_433 : i32
      %add3A_435 = vector.broadcast %mul3A_434 : i32 to vector<16xi32>
      %add3A_436 = arith.addi %iota3A, %add3A_435 : vector<16xi32>
      tpu.vector_store_idx %arg7[%sub3A_428, %add3A_436], %broadcast_in_dim3A_6 masked %and3A : memref<80x512xf32, #tpu.memory_space<vmem>>[vector<16xi32>, vector<16xi32>], vector<16xf32>, vector<16xi1>
    }
    %scan3A_158 = arith.constant 32 : i32
    %dma_start3A_159 = arith.constant 0 : i32
    %dma_start3A_160 = arith.constant 0 : i32
    %dma_start3A_161 = tpu.memref_slice %arg7[%dma_start3A_159, %dma_start3A_160] : memref<80x512xf32, #tpu.memory_space<vmem>> -> memref<80x512xf32, #tpu.memory_space<vmem>>
    %dma_start3A_162 = arith.constant 400 : i32
    %dma_start3A_163 = tpu.memref_slice %arg3[%dma_start3A_162, %mul3A_2] : memref<1000x16384xf32, #tpu.memory_space<hbm>> -> memref<80x512xf32, #tpu.memory_space<hbm>>
    %dma_start3A_164 = arith.constant 400 : i32
    %dma_start3A_165 = tpu.memref_slice %arg3[%dma_start3A_164, %mul3A_2] : memref<1000x16384xf32, #tpu.memory_space<hbm>> -> memref<80x512xf32, #tpu.memory_space<hbm>>
    %dma_start3A_166 = arith.constant 0 : i32
    %dma_start3A_167 = arith.constant 0 : i32
    %dma_start3A_168 = tpu.memref_slice %arg7[%dma_start3A_166, %dma_start3A_167] : memref<80x512xf32, #tpu.memory_space<vmem>> -> memref<80x512xf32, #tpu.memory_space<vmem>>
    tpu.enqueue_dma source(%dma_start3A_168 : memref<80x512xf32, #tpu.memory_space<vmem>>) target(%dma_start3A_165 : memref<80x512xf32, #tpu.memory_space<hbm>>) target_semaphore(%arg10 : memref<!tpu.dma_semaphore, #tpu.memory_space<semaphore_mem>>)
    %dma_wait3A_169 = arith.constant 0 : i32
    %dma_wait3A_170 = arith.constant 0 : i32
    %dma_wait3A_171 = tpu.memref_slice %arg5[%dma_wait3A_169, %dma_wait3A_170] : memref<80x512xf32, #tpu.memory_space<vmem>> -> memref<80x512xf32, #tpu.memory_space<vmem>>
    %dma_wait3A_172 = arith.constant 240 : i32
    %dma_wait3A_173 = tpu.memref_slice %arg3[%dma_wait3A_172, %mul3A_2] : memref<1000x16384xf32, #tpu.memory_space<hbm>> -> memref<80x512xf32, #tpu.memory_space<hbm>>
    %dma_wait3A_174 = arith.constant 240 : i32
    %dma_wait3A_175 = tpu.memref_slice %arg3[%dma_wait3A_174, %mul3A_2] : memref<1000x16384xf32, #tpu.memory_space<hbm>> -> memref<80x512xf32, #tpu.memory_space<hbm>>
    %dma_wait3A_176 = arith.constant 0 : i32
    %dma_wait3A_177 = arith.constant 0 : i32
    %dma_wait3A_178 = tpu.memref_slice %arg5[%dma_wait3A_176, %dma_wait3A_177] : memref<80x512xf32, #tpu.memory_space<vmem>> -> memref<80x512xf32, #tpu.memory_space<vmem>>
    tpu.wait_dma2 semaphore(%arg8 : memref<!tpu.dma_semaphore, #tpu.memory_space<semaphore_mem>>) src(%dma_wait3A_178 : memref<80x512xf32, #tpu.memory_space<vmem>>) dst(%dma_wait3A_175 : memref<80x512xf32, #tpu.memory_space<hbm>>)
    %scan3A_179 = arith.constant 0 : i32
    %scan3A_180 = arith.constant 0 : i32
    %scan3A_181 = arith.constant 32 : i32
    %scan3A_182 = arith.addi %scan3A_180, %scan3A_181 : i32
    %scan3A_183 = arith.constant 1 : i32
    scf.for %scan3A_423 = %scan3A_180 to %scan3A_182 step %scan3A_183  : i32 {
      %mul3A_424 = arith.constant 16 : i32
      %mul3A_425 = arith.muli %scan3A_423, %mul3A_424 : i32
      %get3A = arith.index_cast %mul3A_425 : i32 to index
      %get3A_426 = tpu.vector_load %arg4[%get3A] {strides = array<i32>} : memref<512xi32, #tpu.memory_space<vmem>>, vector<16xi32>,
      %sub3A = arith.constant 240 : i32
      %sub3A_427 = vector.broadcast %sub3A : i32 to vector<16xi32>
      %sub3A_428 = arith.subi %get3A_426, %sub3A_427 : vector<16xi32>
      %ge3A = arith.constant 240 : i32
      %ge3A_429 = vector.broadcast %ge3A : i32 to vector<16xi32>
      %ge3A_430 = arith.cmpi sge, %get3A_426, %ge3A_429 : vector<16xi32>
      %lt3A = arith.constant 320 : i32
      %lt3A_431 = vector.broadcast %lt3A : i32 to vector<16xi32>
      %lt3A_432 = arith.cmpi slt, %get3A_426, %lt3A_431 : vector<16xi32>
      %and3A = arith.andi %ge3A_430, %lt3A_432 : vector<16xi1>
      %mul3A_433 = arith.constant 16 : i32
      %mul3A_434 = arith.muli %scan3A_423, %mul3A_433 : i32
      %add3A_435 = vector.broadcast %mul3A_434 : i32 to vector<16xi32>
      %add3A_436 = arith.addi %iota3A, %add3A_435 : vector<16xi32>
      tpu.vector_store_idx %arg5[%sub3A_428, %add3A_436], %broadcast_in_dim3A_4 masked %and3A : memref<80x512xf32, #tpu.memory_space<vmem>>[vector<16xi32>, vector<16xi32>], vector<16xf32>, vector<16xi1>
    }
    %scan3A_184 = arith.constant 32 : i32
    %scan3A_185 = arith.constant 0 : i32
    %scan3A_186 = arith.constant 0 : i32
    %scan3A_187 = arith.constant 32 : i32
    %scan3A_188 = arith.addi %scan3A_186, %scan3A_187 : i32
    %scan3A_189 = arith.constant 1 : i32
    scf.for %scan3A_423 = %scan3A_186 to %scan3A_188 step %scan3A_189  : i32 {
      %mul3A_424 = arith.constant 16 : i32
      %mul3A_425 = arith.muli %scan3A_423, %mul3A_424 : i32
      %get3A = arith.index_cast %mul3A_425 : i32 to index
      %get3A_426 = tpu.vector_load %arg4[%get3A] {strides = array<i32>} : memref<512xi32, #tpu.memory_space<vmem>>, vector<16xi32>,
      %sub3A = arith.constant 480 : i32
      %sub3A_427 = vector.broadcast %sub3A : i32 to vector<16xi32>
      %sub3A_428 = arith.subi %get3A_426, %sub3A_427 : vector<16xi32>
      %ge3A = arith.constant 480 : i32
      %ge3A_429 = vector.broadcast %ge3A : i32 to vector<16xi32>
      %ge3A_430 = arith.cmpi sge, %get3A_426, %ge3A_429 : vector<16xi32>
      %lt3A = arith.constant 560 : i32
      %lt3A_431 = vector.broadcast %lt3A : i32 to vector<16xi32>
      %lt3A_432 = arith.cmpi slt, %get3A_426, %lt3A_431 : vector<16xi32>
      %and3A = arith.andi %ge3A_430, %lt3A_432 : vector<16xi1>
      %mul3A_433 = arith.constant 16 : i32
      %mul3A_434 = arith.muli %scan3A_423, %mul3A_433 : i32
      %add3A_435 = vector.broadcast %mul3A_434 : i32 to vector<16xi32>
      %add3A_436 = arith.addi %iota3A, %add3A_435 : vector<16xi32>
      tpu.vector_store_idx %arg5[%sub3A_428, %add3A_436], %broadcast_in_dim3A_6 masked %and3A : memref<80x512xf32, #tpu.memory_space<vmem>>[vector<16xi32>, vector<16xi32>], vector<16xf32>, vector<16xi1>
    }
    %scan3A_190 = arith.constant 32 : i32
    %dma_start3A_191 = arith.constant 0 : i32
    %dma_start3A_192 = arith.constant 0 : i32
    %dma_start3A_193 = tpu.memref_slice %arg5[%dma_start3A_191, %dma_start3A_192] : memref<80x512xf32, #tpu.memory_space<vmem>> -> memref<80x512xf32, #tpu.memory_space<vmem>>
    %dma_start3A_194 = arith.constant 480 : i32
    %dma_start3A_195 = tpu.memref_slice %arg3[%dma_start3A_194, %mul3A_2] : memref<1000x16384xf32, #tpu.memory_space<hbm>> -> memref<80x512xf32, #tpu.memory_space<hbm>>
    %dma_start3A_196 = arith.constant 480 : i32
    %dma_start3A_197 = tpu.memref_slice %arg3[%dma_start3A_196, %mul3A_2] : memref<1000x16384xf32, #tpu.memory_space<hbm>> -> memref<80x512xf32, #tpu.memory_space<hbm>>
    %dma_start3A_198 = arith.constant 0 : i32
    %dma_start3A_199 = arith.constant 0 : i32
    %dma_start3A_200 = tpu.memref_slice %arg5[%dma_start3A_198, %dma_start3A_199] : memref<80x512xf32, #tpu.memory_space<vmem>> -> memref<80x512xf32, #tpu.memory_space<vmem>>
    tpu.enqueue_dma source(%dma_start3A_200 : memref<80x512xf32, #tpu.memory_space<vmem>>) target(%dma_start3A_197 : memref<80x512xf32, #tpu.memory_space<hbm>>) target_semaphore(%arg8 : memref<!tpu.dma_semaphore, #tpu.memory_space<semaphore_mem>>)
    %dma_wait3A_201 = arith.constant 0 : i32
    %dma_wait3A_202 = arith.constant 0 : i32
    %dma_wait3A_203 = tpu.memref_slice %arg6[%dma_wait3A_201, %dma_wait3A_202] : memref<80x512xf32, #tpu.memory_space<vmem>> -> memref<80x512xf32, #tpu.memory_space<vmem>>
    %dma_wait3A_204 = arith.constant 320 : i32
    %dma_wait3A_205 = tpu.memref_slice %arg3[%dma_wait3A_204, %mul3A_2] : memref<1000x16384xf32, #tpu.memory_space<hbm>> -> memref<80x512xf32, #tpu.memory_space<hbm>>
    %dma_wait3A_206 = arith.constant 320 : i32
    %dma_wait3A_207 = tpu.memref_slice %arg3[%dma_wait3A_206, %mul3A_2] : memref<1000x16384xf32, #tpu.memory_space<hbm>> -> memref<80x512xf32, #tpu.memory_space<hbm>>
    %dma_wait3A_208 = arith.constant 0 : i32
    %dma_wait3A_209 = arith.constant 0 : i32
    %dma_wait3A_210 = tpu.memref_slice %arg6[%dma_wait3A_208, %dma_wait3A_209] : memref<80x512xf32, #tpu.memory_space<vmem>> -> memref<80x512xf32, #tpu.memory_space<vmem>>
    tpu.wait_dma2 semaphore(%arg9 : memref<!tpu.dma_semaphore, #tpu.memory_space<semaphore_mem>>) src(%dma_wait3A_210 : memref<80x512xf32, #tpu.memory_space<vmem>>) dst(%dma_wait3A_207 : memref<80x512xf32, #tpu.memory_space<hbm>>)
    %scan3A_211 = arith.constant 0 : i32
    %scan3A_212 = arith.constant 0 : i32
    %scan3A_213 = arith.constant 32 : i32
    %scan3A_214 = arith.addi %scan3A_212, %scan3A_213 : i32
    %scan3A_215 = arith.constant 1 : i32
    scf.for %scan3A_423 = %scan3A_212 to %scan3A_214 step %scan3A_215  : i32 {
      %mul3A_424 = arith.constant 16 : i32
      %mul3A_425 = arith.muli %scan3A_423, %mul3A_424 : i32
      %get3A = arith.index_cast %mul3A_425 : i32 to index
      %get3A_426 = tpu.vector_load %arg4[%get3A] {strides = array<i32>} : memref<512xi32, #tpu.memory_space<vmem>>, vector<16xi32>,
      %sub3A = arith.constant 320 : i32
      %sub3A_427 = vector.broadcast %sub3A : i32 to vector<16xi32>
      %sub3A_428 = arith.subi %get3A_426, %sub3A_427 : vector<16xi32>
      %ge3A = arith.constant 320 : i32
      %ge3A_429 = vector.broadcast %ge3A : i32 to vector<16xi32>
      %ge3A_430 = arith.cmpi sge, %get3A_426, %ge3A_429 : vector<16xi32>
      %lt3A = arith.constant 400 : i32
      %lt3A_431 = vector.broadcast %lt3A : i32 to vector<16xi32>
      %lt3A_432 = arith.cmpi slt, %get3A_426, %lt3A_431 : vector<16xi32>
      %and3A = arith.andi %ge3A_430, %lt3A_432 : vector<16xi1>
      %mul3A_433 = arith.constant 16 : i32
      %mul3A_434 = arith.muli %scan3A_423, %mul3A_433 : i32
      %add3A_435 = vector.broadcast %mul3A_434 : i32 to vector<16xi32>
      %add3A_436 = arith.addi %iota3A, %add3A_435 : vector<16xi32>
      tpu.vector_store_idx %arg6[%sub3A_428, %add3A_436], %broadcast_in_dim3A_4 masked %and3A : memref<80x512xf32, #tpu.memory_space<vmem>>[vector<16xi32>, vector<16xi32>], vector<16xf32>, vector<16xi1>
    }
    %scan3A_216 = arith.constant 32 : i32
    %scan3A_217 = arith.constant 0 : i32
    %scan3A_218 = arith.constant 0 : i32
    %scan3A_219 = arith.constant 32 : i32
    %scan3A_220 = arith.addi %scan3A_218, %scan3A_219 : i32
    %scan3A_221 = arith.constant 1 : i32
    scf.for %scan3A_423 = %scan3A_218 to %scan3A_220 step %scan3A_221  : i32 {
      %mul3A_424 = arith.constant 16 : i32
      %mul3A_425 = arith.muli %scan3A_423, %mul3A_424 : i32
      %get3A = arith.index_cast %mul3A_425 : i32 to index
      %get3A_426 = tpu.vector_load %arg4[%get3A] {strides = array<i32>} : memref<512xi32, #tpu.memory_space<vmem>>, vector<16xi32>,
      %sub3A = arith.constant 560 : i32
      %sub3A_427 = vector.broadcast %sub3A : i32 to vector<16xi32>
      %sub3A_428 = arith.subi %get3A_426, %sub3A_427 : vector<16xi32>
      %ge3A = arith.constant 560 : i32
      %ge3A_429 = vector.broadcast %ge3A : i32 to vector<16xi32>
      %ge3A_430 = arith.cmpi sge, %get3A_426, %ge3A_429 : vector<16xi32>
      %lt3A = arith.constant 640 : i32
      %lt3A_431 = vector.broadcast %lt3A : i32 to vector<16xi32>
      %lt3A_432 = arith.cmpi slt, %get3A_426, %lt3A_431 : vector<16xi32>
      %and3A = arith.andi %ge3A_430, %lt3A_432 : vector<16xi1>
      %mul3A_433 = arith.constant 16 : i32
      %mul3A_434 = arith.muli %scan3A_423, %mul3A_433 : i32
      %add3A_435 = vector.broadcast %mul3A_434 : i32 to vector<16xi32>
      %add3A_436 = arith.addi %iota3A, %add3A_435 : vector<16xi32>
      tpu.vector_store_idx %arg6[%sub3A_428, %add3A_436], %broadcast_in_dim3A_6 masked %and3A : memref<80x512xf32, #tpu.memory_space<vmem>>[vector<16xi32>, vector<16xi32>], vector<16xf32>, vector<16xi1>
    }
    %scan3A_222 = arith.constant 32 : i32
    %dma_start3A_223 = arith.constant 0 : i32
    %dma_start3A_224 = arith.constant 0 : i32
    %dma_start3A_225 = tpu.memref_slice %arg6[%dma_start3A_223, %dma_start3A_224] : memref<80x512xf32, #tpu.memory_space<vmem>> -> memref<80x512xf32, #tpu.memory_space<vmem>>
    %dma_start3A_226 = arith.constant 560 : i32
    %dma_start3A_227 = tpu.memref_slice %arg3[%dma_start3A_226, %mul3A_2] : memref<1000x16384xf32, #tpu.memory_space<hbm>> -> memref<80x512xf32, #tpu.memory_space<hbm>>
    %dma_start3A_228 = arith.constant 560 : i32
    %dma_start3A_229 = tpu.memref_slice %arg3[%dma_start3A_228, %mul3A_2] : memref<1000x16384xf32, #tpu.memory_space<hbm>> -> memref<80x512xf32, #tpu.memory_space<hbm>>
    %dma_start3A_230 = arith.constant 0 : i32
    %dma_start3A_231 = arith.constant 0 : i32
    %dma_start3A_232 = tpu.memref_slice %arg6[%dma_start3A_230, %dma_start3A_231] : memref<80x512xf32, #tpu.memory_space<vmem>> -> memref<80x512xf32, #tpu.memory_space<vmem>>
    tpu.enqueue_dma source(%dma_start3A_232 : memref<80x512xf32, #tpu.memory_space<vmem>>) target(%dma_start3A_229 : memref<80x512xf32, #tpu.memory_space<hbm>>) target_semaphore(%arg9 : memref<!tpu.dma_semaphore, #tpu.memory_space<semaphore_mem>>)
    %dma_wait3A_233 = arith.constant 0 : i32
    %dma_wait3A_234 = arith.constant 0 : i32
    %dma_wait3A_235 = tpu.memref_slice %arg7[%dma_wait3A_233, %dma_wait3A_234] : memref<80x512xf32, #tpu.memory_space<vmem>> -> memref<80x512xf32, #tpu.memory_space<vmem>>
    %dma_wait3A_236 = arith.constant 400 : i32
    %dma_wait3A_237 = tpu.memref_slice %arg3[%dma_wait3A_236, %mul3A_2] : memref<1000x16384xf32, #tpu.memory_space<hbm>> -> memref<80x512xf32, #tpu.memory_space<hbm>>
    %dma_wait3A_238 = arith.constant 400 : i32
    %dma_wait3A_239 = tpu.memref_slice %arg3[%dma_wait3A_238, %mul3A_2] : memref<1000x16384xf32, #tpu.memory_space<hbm>> -> memref<80x512xf32, #tpu.memory_space<hbm>>
    %dma_wait3A_240 = arith.constant 0 : i32
    %dma_wait3A_241 = arith.constant 0 : i32
    %dma_wait3A_242 = tpu.memref_slice %arg7[%dma_wait3A_240, %dma_wait3A_241] : memref<80x512xf32, #tpu.memory_space<vmem>> -> memref<80x512xf32, #tpu.memory_space<vmem>>
    tpu.wait_dma2 semaphore(%arg10 : memref<!tpu.dma_semaphore, #tpu.memory_space<semaphore_mem>>) src(%dma_wait3A_242 : memref<80x512xf32, #tpu.memory_space<vmem>>) dst(%dma_wait3A_239 : memref<80x512xf32, #tpu.memory_space<hbm>>)
    %scan3A_243 = arith.constant 0 : i32
    %scan3A_244 = arith.constant 0 : i32
    %scan3A_245 = arith.constant 32 : i32
    %scan3A_246 = arith.addi %scan3A_244, %scan3A_245 : i32
    %scan3A_247 = arith.constant 1 : i32
    scf.for %scan3A_423 = %scan3A_244 to %scan3A_246 step %scan3A_247  : i32 {
      %mul3A_424 = arith.constant 16 : i32
      %mul3A_425 = arith.muli %scan3A_423, %mul3A_424 : i32
      %get3A = arith.index_cast %mul3A_425 : i32 to index
      %get3A_426 = tpu.vector_load %arg4[%get3A] {strides = array<i32>} : memref<512xi32, #tpu.memory_space<vmem>>, vector<16xi32>,
      %sub3A = arith.constant 400 : i32
      %sub3A_427 = vector.broadcast %sub3A : i32 to vector<16xi32>
      %sub3A_428 = arith.subi %get3A_426, %sub3A_427 : vector<16xi32>
      %ge3A = arith.constant 400 : i32
      %ge3A_429 = vector.broadcast %ge3A : i32 to vector<16xi32>
      %ge3A_430 = arith.cmpi sge, %get3A_426, %ge3A_429 : vector<16xi32>
      %lt3A = arith.constant 480 : i32
      %lt3A_431 = vector.broadcast %lt3A : i32 to vector<16xi32>
      %lt3A_432 = arith.cmpi slt, %get3A_426, %lt3A_431 : vector<16xi32>
      %and3A = arith.andi %ge3A_430, %lt3A_432 : vector<16xi1>
      %mul3A_433 = arith.constant 16 : i32
      %mul3A_434 = arith.muli %scan3A_423, %mul3A_433 : i32
      %add3A_435 = vector.broadcast %mul3A_434 : i32 to vector<16xi32>
      %add3A_436 = arith.addi %iota3A, %add3A_435 : vector<16xi32>
      tpu.vector_store_idx %arg7[%sub3A_428, %add3A_436], %broadcast_in_dim3A_4 masked %and3A : memref<80x512xf32, #tpu.memory_space<vmem>>[vector<16xi32>, vector<16xi32>], vector<16xf32>, vector<16xi1>
    }
    %scan3A_248 = arith.constant 32 : i32
    %scan3A_249 = arith.constant 0 : i32
    %scan3A_250 = arith.constant 0 : i32
    %scan3A_251 = arith.constant 32 : i32
    %scan3A_252 = arith.addi %scan3A_250, %scan3A_251 : i32
    %scan3A_253 = arith.constant 1 : i32
    scf.for %scan3A_423 = %scan3A_250 to %scan3A_252 step %scan3A_253  : i32 {
      %mul3A_424 = arith.constant 16 : i32
      %mul3A_425 = arith.muli %scan3A_423, %mul3A_424 : i32
      %get3A = arith.index_cast %mul3A_425 : i32 to index
      %get3A_426 = tpu.vector_load %arg4[%get3A] {strides = array<i32>} : memref<512xi32, #tpu.memory_space<vmem>>, vector<16xi32>,
      %sub3A = arith.constant 640 : i32
      %sub3A_427 = vector.broadcast %sub3A : i32 to vector<16xi32>
      %sub3A_428 = arith.subi %get3A_426, %sub3A_427 : vector<16xi32>
      %ge3A = arith.constant 640 : i32
      %ge3A_429 = vector.broadcast %ge3A : i32 to vector<16xi32>
      %ge3A_430 = arith.cmpi sge, %get3A_426, %ge3A_429 : vector<16xi32>
      %lt3A = arith.constant 720 : i32
      %lt3A_431 = vector.broadcast %lt3A : i32 to vector<16xi32>
      %lt3A_432 = arith.cmpi slt, %get3A_426, %lt3A_431 : vector<16xi32>
      %and3A = arith.andi %ge3A_430, %lt3A_432 : vector<16xi1>
      %mul3A_433 = arith.constant 16 : i32
      %mul3A_434 = arith.muli %scan3A_423, %mul3A_433 : i32
      %add3A_435 = vector.broadcast %mul3A_434 : i32 to vector<16xi32>
      %add3A_436 = arith.addi %iota3A, %add3A_435 : vector<16xi32>
      tpu.vector_store_idx %arg7[%sub3A_428, %add3A_436], %broadcast_in_dim3A_6 masked %and3A : memref<80x512xf32, #tpu.memory_space<vmem>>[vector<16xi32>, vector<16xi32>], vector<16xf32>, vector<16xi1>
    }
    %scan3A_254 = arith.constant 32 : i32
    %dma_start3A_255 = arith.constant 0 : i32
    %dma_start3A_256 = arith.constant 0 : i32
    %dma_start3A_257 = tpu.memref_slice %arg7[%dma_start3A_255, %dma_start3A_256] : memref<80x512xf32, #tpu.memory_space<vmem>> -> memref<80x512xf32, #tpu.memory_space<vmem>>
    %dma_start3A_258 = arith.constant 640 : i32
    %dma_start3A_259 = tpu.memref_slice %arg3[%dma_start3A_258, %mul3A_2] : memref<1000x16384xf32, #tpu.memory_space<hbm>> -> memref<80x512xf32, #tpu.memory_space<hbm>>
    %dma_start3A_260 = arith.constant 640 : i32
    %dma_start3A_261 = tpu.memref_slice %arg3[%dma_start3A_260, %mul3A_2] : memref<1000x16384xf32, #tpu.memory_space<hbm>> -> memref<80x512xf32, #tpu.memory_space<hbm>>
    %dma_start3A_262 = arith.constant 0 : i32
    %dma_start3A_263 = arith.constant 0 : i32
    %dma_start3A_264 = tpu.memref_slice %arg7[%dma_start3A_262, %dma_start3A_263] : memref<80x512xf32, #tpu.memory_space<vmem>> -> memref<80x512xf32, #tpu.memory_space<vmem>>
    tpu.enqueue_dma source(%dma_start3A_264 : memref<80x512xf32, #tpu.memory_space<vmem>>) target(%dma_start3A_261 : memref<80x512xf32, #tpu.memory_space<hbm>>) target_semaphore(%arg10 : memref<!tpu.dma_semaphore, #tpu.memory_space<semaphore_mem>>)
    %dma_wait3A_265 = arith.constant 0 : i32
    %dma_wait3A_266 = arith.constant 0 : i32
    %dma_wait3A_267 = tpu.memref_slice %arg5[%dma_wait3A_265, %dma_wait3A_266] : memref<80x512xf32, #tpu.memory_space<vmem>> -> memref<80x512xf32, #tpu.memory_space<vmem>>
    %dma_wait3A_268 = arith.constant 480 : i32
    %dma_wait3A_269 = tpu.memref_slice %arg3[%dma_wait3A_268, %mul3A_2] : memref<1000x16384xf32, #tpu.memory_space<hbm>> -> memref<80x512xf32, #tpu.memory_space<hbm>>
    %dma_wait3A_270 = arith.constant 480 : i32
    %dma_wait3A_271 = tpu.memref_slice %arg3[%dma_wait3A_270, %mul3A_2] : memref<1000x16384xf32, #tpu.memory_space<hbm>> -> memref<80x512xf32, #tpu.memory_space<hbm>>
    %dma_wait3A_272 = arith.constant 0 : i32
    %dma_wait3A_273 = arith.constant 0 : i32
    %dma_wait3A_274 = tpu.memref_slice %arg5[%dma_wait3A_272, %dma_wait3A_273] : memref<80x512xf32, #tpu.memory_space<vmem>> -> memref<80x512xf32, #tpu.memory_space<vmem>>
    tpu.wait_dma2 semaphore(%arg8 : memref<!tpu.dma_semaphore, #tpu.memory_space<semaphore_mem>>) src(%dma_wait3A_274 : memref<80x512xf32, #tpu.memory_space<vmem>>) dst(%dma_wait3A_271 : memref<80x512xf32, #tpu.memory_space<hbm>>)
    %scan3A_275 = arith.constant 0 : i32
    %scan3A_276 = arith.constant 0 : i32
    %scan3A_277 = arith.constant 32 : i32
    %scan3A_278 = arith.addi %scan3A_276, %scan3A_277 : i32
    %scan3A_279 = arith.constant 1 : i32
    scf.for %scan3A_423 = %scan3A_276 to %scan3A_278 step %scan3A_279  : i32 {
      %mul3A_424 = arith.constant 16 : i32
      %mul3A_425 = arith.muli %scan3A_423, %mul3A_424 : i32
      %get3A = arith.index_cast %mul3A_425 : i32 to index
      %get3A_426 = tpu.vector_load %arg4[%get3A] {strides = array<i32>} : memref<512xi32, #tpu.memory_space<vmem>>, vector<16xi32>,
      %sub3A = arith.constant 480 : i32
      %sub3A_427 = vector.broadcast %sub3A : i32 to vector<16xi32>
      %sub3A_428 = arith.subi %get3A_426, %sub3A_427 : vector<16xi32>
      %ge3A = arith.constant 480 : i32
      %ge3A_429 = vector.broadcast %ge3A : i32 to vector<16xi32>
      %ge3A_430 = arith.cmpi sge, %get3A_426, %ge3A_429 : vector<16xi32>
      %lt3A = arith.constant 560 : i32
      %lt3A_431 = vector.broadcast %lt3A : i32 to vector<16xi32>
      %lt3A_432 = arith.cmpi slt, %get3A_426, %lt3A_431 : vector<16xi32>
      %and3A = arith.andi %ge3A_430, %lt3A_432 : vector<16xi1>
      %mul3A_433 = arith.constant 16 : i32
      %mul3A_434 = arith.muli %scan3A_423, %mul3A_433 : i32
      %add3A_435 = vector.broadcast %mul3A_434 : i32 to vector<16xi32>
      %add3A_436 = arith.addi %iota3A, %add3A_435 : vector<16xi32>
      tpu.vector_store_idx %arg5[%sub3A_428, %add3A_436], %broadcast_in_dim3A_4 masked %and3A : memref<80x512xf32, #tpu.memory_space<vmem>>[vector<16xi32>, vector<16xi32>], vector<16xf32>, vector<16xi1>
    }
    %scan3A_280 = arith.constant 32 : i32
    %scan3A_281 = arith.constant 0 : i32
    %scan3A_282 = arith.constant 0 : i32
    %scan3A_283 = arith.constant 32 : i32
    %scan3A_284 = arith.addi %scan3A_282, %scan3A_283 : i32
    %scan3A_285 = arith.constant 1 : i32
    scf.for %scan3A_423 = %scan3A_282 to %scan3A_284 step %scan3A_285  : i32 {
      %mul3A_424 = arith.constant 16 : i32
      %mul3A_425 = arith.muli %scan3A_423, %mul3A_424 : i32
      %get3A = arith.index_cast %mul3A_425 : i32 to index
      %get3A_426 = tpu.vector_load %arg4[%get3A] {strides = array<i32>} : memref<512xi32, #tpu.memory_space<vmem>>, vector<16xi32>,
      %sub3A = arith.constant 720 : i32
      %sub3A_427 = vector.broadcast %sub3A : i32 to vector<16xi32>
      %sub3A_428 = arith.subi %get3A_426, %sub3A_427 : vector<16xi32>
      %ge3A = arith.constant 720 : i32
      %ge3A_429 = vector.broadcast %ge3A : i32 to vector<16xi32>
      %ge3A_430 = arith.cmpi sge, %get3A_426, %ge3A_429 : vector<16xi32>
      %lt3A = arith.constant 800 : i32
      %lt3A_431 = vector.broadcast %lt3A : i32 to vector<16xi32>
      %lt3A_432 = arith.cmpi slt, %get3A_426, %lt3A_431 : vector<16xi32>
      %and3A = arith.andi %ge3A_430, %lt3A_432 : vector<16xi1>
      %mul3A_433 = arith.constant 16 : i32
      %mul3A_434 = arith.muli %scan3A_423, %mul3A_433 : i32
      %add3A_435 = vector.broadcast %mul3A_434 : i32 to vector<16xi32>
      %add3A_436 = arith.addi %iota3A, %add3A_435 : vector<16xi32>
      tpu.vector_store_idx %arg5[%sub3A_428, %add3A_436], %broadcast_in_dim3A_6 masked %and3A : memref<80x512xf32, #tpu.memory_space<vmem>>[vector<16xi32>, vector<16xi32>], vector<16xf32>, vector<16xi1>
    }
    %scan3A_286 = arith.constant 32 : i32
    %dma_start3A_287 = arith.constant 0 : i32
    %dma_start3A_288 = arith.constant 0 : i32
    %dma_start3A_289 = tpu.memref_slice %arg5[%dma_start3A_287, %dma_start3A_288] : memref<80x512xf32, #tpu.memory_space<vmem>> -> memref<80x512xf32, #tpu.memory_space<vmem>>
    %dma_start3A_290 = arith.constant 720 : i32
    %dma_start3A_291 = tpu.memref_slice %arg3[%dma_start3A_290, %mul3A_2] : memref<1000x16384xf32, #tpu.memory_space<hbm>> -> memref<80x512xf32, #tpu.memory_space<hbm>>
    %dma_start3A_292 = arith.constant 720 : i32
    %dma_start3A_293 = tpu.memref_slice %arg3[%dma_start3A_292, %mul3A_2] : memref<1000x16384xf32, #tpu.memory_space<hbm>> -> memref<80x512xf32, #tpu.memory_space<hbm>>
    %dma_start3A_294 = arith.constant 0 : i32
    %dma_start3A_295 = arith.constant 0 : i32
    %dma_start3A_296 = tpu.memref_slice %arg5[%dma_start3A_294, %dma_start3A_295] : memref<80x512xf32, #tpu.memory_space<vmem>> -> memref<80x512xf32, #tpu.memory_space<vmem>>
    tpu.enqueue_dma source(%dma_start3A_296 : memref<80x512xf32, #tpu.memory_space<vmem>>) target(%dma_start3A_293 : memref<80x512xf32, #tpu.memory_space<hbm>>) target_semaphore(%arg8 : memref<!tpu.dma_semaphore, #tpu.memory_space<semaphore_mem>>)
    %dma_wait3A_297 = arith.constant 0 : i32
    %dma_wait3A_298 = arith.constant 0 : i32
    %dma_wait3A_299 = tpu.memref_slice %arg6[%dma_wait3A_297, %dma_wait3A_298] : memref<80x512xf32, #tpu.memory_space<vmem>> -> memref<80x512xf32, #tpu.memory_space<vmem>>
    %dma_wait3A_300 = arith.constant 560 : i32
    %dma_wait3A_301 = tpu.memref_slice %arg3[%dma_wait3A_300, %mul3A_2] : memref<1000x16384xf32, #tpu.memory_space<hbm>> -> memref<80x512xf32, #tpu.memory_space<hbm>>
    %dma_wait3A_302 = arith.constant 560 : i32
    %dma_wait3A_303 = tpu.memref_slice %arg3[%dma_wait3A_302, %mul3A_2] : memref<1000x16384xf32, #tpu.memory_space<hbm>> -> memref<80x512xf32, #tpu.memory_space<hbm>>
    %dma_wait3A_304 = arith.constant 0 : i32
    %dma_wait3A_305 = arith.constant 0 : i32
    %dma_wait3A_306 = tpu.memref_slice %arg6[%dma_wait3A_304, %dma_wait3A_305] : memref<80x512xf32, #tpu.memory_space<vmem>> -> memref<80x512xf32, #tpu.memory_space<vmem>>
    tpu.wait_dma2 semaphore(%arg9 : memref<!tpu.dma_semaphore, #tpu.memory_space<semaphore_mem>>) src(%dma_wait3A_306 : memref<80x512xf32, #tpu.memory_space<vmem>>) dst(%dma_wait3A_303 : memref<80x512xf32, #tpu.memory_space<hbm>>)
    %scan3A_307 = arith.constant 0 : i32
    %scan3A_308 = arith.constant 0 : i32
    %scan3A_309 = arith.constant 32 : i32
    %scan3A_310 = arith.addi %scan3A_308, %scan3A_309 : i32
    %scan3A_311 = arith.constant 1 : i32
    scf.for %scan3A_423 = %scan3A_308 to %scan3A_310 step %scan3A_311  : i32 {
      %mul3A_424 = arith.constant 16 : i32
      %mul3A_425 = arith.muli %scan3A_423, %mul3A_424 : i32
      %get3A = arith.index_cast %mul3A_425 : i32 to index
      %get3A_426 = tpu.vector_load %arg4[%get3A] {strides = array<i32>} : memref<512xi32, #tpu.memory_space<vmem>>, vector<16xi32>,
      %sub3A = arith.constant 560 : i32
      %sub3A_427 = vector.broadcast %sub3A : i32 to vector<16xi32>
      %sub3A_428 = arith.subi %get3A_426, %sub3A_427 : vector<16xi32>
      %ge3A = arith.constant 560 : i32
      %ge3A_429 = vector.broadcast %ge3A : i32 to vector<16xi32>
      %ge3A_430 = arith.cmpi sge, %get3A_426, %ge3A_429 : vector<16xi32>
      %lt3A = arith.constant 640 : i32
      %lt3A_431 = vector.broadcast %lt3A : i32 to vector<16xi32>
      %lt3A_432 = arith.cmpi slt, %get3A_426, %lt3A_431 : vector<16xi32>
      %and3A = arith.andi %ge3A_430, %lt3A_432 : vector<16xi1>
      %mul3A_433 = arith.constant 16 : i32
      %mul3A_434 = arith.muli %scan3A_423, %mul3A_433 : i32
      %add3A_435 = vector.broadcast %mul3A_434 : i32 to vector<16xi32>
      %add3A_436 = arith.addi %iota3A, %add3A_435 : vector<16xi32>
      tpu.vector_store_idx %arg6[%sub3A_428, %add3A_436], %broadcast_in_dim3A_4 masked %and3A : memref<80x512xf32, #tpu.memory_space<vmem>>[vector<16xi32>, vector<16xi32>], vector<16xf32>, vector<16xi1>
    }
    %scan3A_312 = arith.constant 32 : i32
    %scan3A_313 = arith.constant 0 : i32
    %scan3A_314 = arith.constant 0 : i32
    %scan3A_315 = arith.constant 32 : i32
    %scan3A_316 = arith.addi %scan3A_314, %scan3A_315 : i32
    %scan3A_317 = arith.constant 1 : i32
    scf.for %scan3A_423 = %scan3A_314 to %scan3A_316 step %scan3A_317  : i32 {
      %mul3A_424 = arith.constant 16 : i32
      %mul3A_425 = arith.muli %scan3A_423, %mul3A_424 : i32
      %get3A = arith.index_cast %mul3A_425 : i32 to index
      %get3A_426 = tpu.vector_load %arg4[%get3A] {strides = array<i32>} : memref<512xi32, #tpu.memory_space<vmem>>, vector<16xi32>,
      %sub3A = arith.constant 800 : i32
      %sub3A_427 = vector.broadcast %sub3A : i32 to vector<16xi32>
      %sub3A_428 = arith.subi %get3A_426, %sub3A_427 : vector<16xi32>
      %ge3A = arith.constant 800 : i32
      %ge3A_429 = vector.broadcast %ge3A : i32 to vector<16xi32>
      %ge3A_430 = arith.cmpi sge, %get3A_426, %ge3A_429 : vector<16xi32>
      %lt3A = arith.constant 880 : i32
      %lt3A_431 = vector.broadcast %lt3A : i32 to vector<16xi32>
      %lt3A_432 = arith.cmpi slt, %get3A_426, %lt3A_431 : vector<16xi32>
      %and3A = arith.andi %ge3A_430, %lt3A_432 : vector<16xi1>
      %mul3A_433 = arith.constant 16 : i32
      %mul3A_434 = arith.muli %scan3A_423, %mul3A_433 : i32
      %add3A_435 = vector.broadcast %mul3A_434 : i32 to vector<16xi32>
      %add3A_436 = arith.addi %iota3A, %add3A_435 : vector<16xi32>
      tpu.vector_store_idx %arg6[%sub3A_428, %add3A_436], %broadcast_in_dim3A_6 masked %and3A : memref<80x512xf32, #tpu.memory_space<vmem>>[vector<16xi32>, vector<16xi32>], vector<16xf32>, vector<16xi1>
    }
    %scan3A_318 = arith.constant 32 : i32
    %dma_start3A_319 = arith.constant 0 : i32
    %dma_start3A_320 = arith.constant 0 : i32
    %dma_start3A_321 = tpu.memref_slice %arg6[%dma_start3A_319, %dma_start3A_320] : memref<80x512xf32, #tpu.memory_space<vmem>> -> memref<80x512xf32, #tpu.memory_space<vmem>>
    %dma_start3A_322 = arith.constant 800 : i32
    %dma_start3A_323 = tpu.memref_slice %arg3[%dma_start3A_322, %mul3A_2] : memref<1000x16384xf32, #tpu.memory_space<hbm>> -> memref<80x512xf32, #tpu.memory_space<hbm>>
    %dma_start3A_324 = arith.constant 800 : i32
    %dma_start3A_325 = tpu.memref_slice %arg3[%dma_start3A_324, %mul3A_2] : memref<1000x16384xf32, #tpu.memory_space<hbm>> -> memref<80x512xf32, #tpu.memory_space<hbm>>
    %dma_start3A_326 = arith.constant 0 : i32
    %dma_start3A_327 = arith.constant 0 : i32
    %dma_start3A_328 = tpu.memref_slice %arg6[%dma_start3A_326, %dma_start3A_327] : memref<80x512xf32, #tpu.memory_space<vmem>> -> memref<80x512xf32, #tpu.memory_space<vmem>>
    tpu.enqueue_dma source(%dma_start3A_328 : memref<80x512xf32, #tpu.memory_space<vmem>>) target(%dma_start3A_325 : memref<80x512xf32, #tpu.memory_space<hbm>>) target_semaphore(%arg9 : memref<!tpu.dma_semaphore, #tpu.memory_space<semaphore_mem>>)
    %dma_wait3A_329 = arith.constant 0 : i32
    %dma_wait3A_330 = arith.constant 0 : i32
    %dma_wait3A_331 = tpu.memref_slice %arg7[%dma_wait3A_329, %dma_wait3A_330] : memref<80x512xf32, #tpu.memory_space<vmem>> -> memref<80x512xf32, #tpu.memory_space<vmem>>
    %dma_wait3A_332 = arith.constant 640 : i32
    %dma_wait3A_333 = tpu.memref_slice %arg3[%dma_wait3A_332, %mul3A_2] : memref<1000x16384xf32, #tpu.memory_space<hbm>> -> memref<80x512xf32, #tpu.memory_space<hbm>>
    %dma_wait3A_334 = arith.constant 640 : i32
    %dma_wait3A_335 = tpu.memref_slice %arg3[%dma_wait3A_334, %mul3A_2] : memref<1000x16384xf32, #tpu.memory_space<hbm>> -> memref<80x512xf32, #tpu.memory_space<hbm>>
    %dma_wait3A_336 = arith.constant 0 : i32
    %dma_wait3A_337 = arith.constant 0 : i32
    %dma_wait3A_338 = tpu.memref_slice %arg7[%dma_wait3A_336, %dma_wait3A_337] : memref<80x512xf32, #tpu.memory_space<vmem>> -> memref<80x512xf32, #tpu.memory_space<vmem>>
    tpu.wait_dma2 semaphore(%arg10 : memref<!tpu.dma_semaphore, #tpu.memory_space<semaphore_mem>>) src(%dma_wait3A_338 : memref<80x512xf32, #tpu.memory_space<vmem>>) dst(%dma_wait3A_335 : memref<80x512xf32, #tpu.memory_space<hbm>>)
    %scan3A_339 = arith.constant 0 : i32
    %scan3A_340 = arith.constant 0 : i32
    %scan3A_341 = arith.constant 32 : i32
    %scan3A_342 = arith.addi %scan3A_340, %scan3A_341 : i32
    %scan3A_343 = arith.constant 1 : i32
    scf.for %scan3A_423 = %scan3A_340 to %scan3A_342 step %scan3A_343  : i32 {
      %mul3A_424 = arith.constant 16 : i32
      %mul3A_425 = arith.muli %scan3A_423, %mul3A_424 : i32
      %get3A = arith.index_cast %mul3A_425 : i32 to index
      %get3A_426 = tpu.vector_load %arg4[%get3A] {strides = array<i32>} : memref<512xi32, #tpu.memory_space<vmem>>, vector<16xi32>,
      %sub3A = arith.constant 640 : i32
      %sub3A_427 = vector.broadcast %sub3A : i32 to vector<16xi32>
      %sub3A_428 = arith.subi %get3A_426, %sub3A_427 : vector<16xi32>
      %ge3A = arith.constant 640 : i32
      %ge3A_429 = vector.broadcast %ge3A : i32 to vector<16xi32>
      %ge3A_430 = arith.cmpi sge, %get3A_426, %ge3A_429 : vector<16xi32>
      %lt3A = arith.constant 720 : i32
      %lt3A_431 = vector.broadcast %lt3A : i32 to vector<16xi32>
      %lt3A_432 = arith.cmpi slt, %get3A_426, %lt3A_431 : vector<16xi32>
      %and3A = arith.andi %ge3A_430, %lt3A_432 : vector<16xi1>
      %mul3A_433 = arith.constant 16 : i32
      %mul3A_434 = arith.muli %scan3A_423, %mul3A_433 : i32
      %add3A_435 = vector.broadcast %mul3A_434 : i32 to vector<16xi32>
      %add3A_436 = arith.addi %iota3A, %add3A_435 : vector<16xi32>
      tpu.vector_store_idx %arg7[%sub3A_428, %add3A_436], %broadcast_in_dim3A_4 masked %and3A : memref<80x512xf32, #tpu.memory_space<vmem>>[vector<16xi32>, vector<16xi32>], vector<16xf32>, vector<16xi1>
    }
    %scan3A_344 = arith.constant 32 : i32
    %scan3A_345 = arith.constant 0 : i32
    %scan3A_346 = arith.constant 0 : i32
    %scan3A_347 = arith.constant 32 : i32
    %scan3A_348 = arith.addi %scan3A_346, %scan3A_347 : i32
    %scan3A_349 = arith.constant 1 : i32
    scf.for %scan3A_423 = %scan3A_346 to %scan3A_348 step %scan3A_349  : i32 {
      %mul3A_424 = arith.constant 16 : i32
      %mul3A_425 = arith.muli %scan3A_423, %mul3A_424 : i32
      %get3A = arith.index_cast %mul3A_425 : i32 to index
      %get3A_426 = tpu.vector_load %arg4[%get3A] {strides = array<i32>} : memref<512xi32, #tpu.memory_space<vmem>>, vector<16xi32>,
      %sub3A = arith.constant 880 : i32
      %sub3A_427 = vector.broadcast %sub3A : i32 to vector<16xi32>
      %sub3A_428 = arith.subi %get3A_426, %sub3A_427 : vector<16xi32>
      %ge3A = arith.constant 880 : i32
      %ge3A_429 = vector.broadcast %ge3A : i32 to vector<16xi32>
      %ge3A_430 = arith.cmpi sge, %get3A_426, %ge3A_429 : vector<16xi32>
      %lt3A = arith.constant 960 : i32
      %lt3A_431 = vector.broadcast %lt3A : i32 to vector<16xi32>
      %lt3A_432 = arith.cmpi slt, %get3A_426, %lt3A_431 : vector<16xi32>
      %and3A = arith.andi %ge3A_430, %lt3A_432 : vector<16xi1>
      %mul3A_433 = arith.constant 16 : i32
      %mul3A_434 = arith.muli %scan3A_423, %mul3A_433 : i32
      %add3A_435 = vector.broadcast %mul3A_434 : i32 to vector<16xi32>
      %add3A_436 = arith.addi %iota3A, %add3A_435 : vector<16xi32>
      tpu.vector_store_idx %arg7[%sub3A_428, %add3A_436], %broadcast_in_dim3A_6 masked %and3A : memref<80x512xf32, #tpu.memory_space<vmem>>[vector<16xi32>, vector<16xi32>], vector<16xf32>, vector<16xi1>
    }
    %scan3A_350 = arith.constant 32 : i32
    %dma_start3A_351 = arith.constant 0 : i32
    %dma_start3A_352 = arith.constant 0 : i32
    %dma_start3A_353 = tpu.memref_slice %arg7[%dma_start3A_351, %dma_start3A_352] : memref<80x512xf32, #tpu.memory_space<vmem>> -> memref<80x512xf32, #tpu.memory_space<vmem>>
    %dma_start3A_354 = arith.constant 880 : i32
    %dma_start3A_355 = tpu.memref_slice %arg3[%dma_start3A_354, %mul3A_2] : memref<1000x16384xf32, #tpu.memory_space<hbm>> -> memref<80x512xf32, #tpu.memory_space<hbm>>
    %dma_start3A_356 = arith.constant 880 : i32
    %dma_start3A_357 = tpu.memref_slice %arg3[%dma_start3A_356, %mul3A_2] : memref<1000x16384xf32, #tpu.memory_space<hbm>> -> memref<80x512xf32, #tpu.memory_space<hbm>>
    %dma_start3A_358 = arith.constant 0 : i32
    %dma_start3A_359 = arith.constant 0 : i32
    %dma_start3A_360 = tpu.memref_slice %arg7[%dma_start3A_358, %dma_start3A_359] : memref<80x512xf32, #tpu.memory_space<vmem>> -> memref<80x512xf32, #tpu.memory_space<vmem>>
    tpu.enqueue_dma source(%dma_start3A_360 : memref<80x512xf32, #tpu.memory_space<vmem>>) target(%dma_start3A_357 : memref<80x512xf32, #tpu.memory_space<hbm>>) target_semaphore(%arg10 : memref<!tpu.dma_semaphore, #tpu.memory_space<semaphore_mem>>)
    %dma_wait3A_361 = arith.constant 0 : i32
    %dma_wait3A_362 = arith.constant 0 : i32
    %dma_wait3A_363 = tpu.memref_slice %arg5[%dma_wait3A_361, %dma_wait3A_362] : memref<80x512xf32, #tpu.memory_space<vmem>> -> memref<80x512xf32, #tpu.memory_space<vmem>>
    %dma_wait3A_364 = arith.constant 720 : i32
    %dma_wait3A_365 = tpu.memref_slice %arg3[%dma_wait3A_364, %mul3A_2] : memref<1000x16384xf32, #tpu.memory_space<hbm>> -> memref<80x512xf32, #tpu.memory_space<hbm>>
    %dma_wait3A_366 = arith.constant 720 : i32
    %dma_wait3A_367 = tpu.memref_slice %arg3[%dma_wait3A_366, %mul3A_2] : memref<1000x16384xf32, #tpu.memory_space<hbm>> -> memref<80x512xf32, #tpu.memory_space<hbm>>
    %dma_wait3A_368 = arith.constant 0 : i32
    %dma_wait3A_369 = arith.constant 0 : i32
    %dma_wait3A_370 = tpu.memref_slice %arg5[%dma_wait3A_368, %dma_wait3A_369] : memref<80x512xf32, #tpu.memory_space<vmem>> -> memref<80x512xf32, #tpu.memory_space<vmem>>
    tpu.wait_dma2 semaphore(%arg8 : memref<!tpu.dma_semaphore, #tpu.memory_space<semaphore_mem>>) src(%dma_wait3A_370 : memref<80x512xf32, #tpu.memory_space<vmem>>) dst(%dma_wait3A_367 : memref<80x512xf32, #tpu.memory_space<hbm>>)
    %scan3A_371 = arith.constant 0 : i32
    %scan3A_372 = arith.constant 0 : i32
    %scan3A_373 = arith.constant 32 : i32
    %scan3A_374 = arith.addi %scan3A_372, %scan3A_373 : i32
    %scan3A_375 = arith.constant 1 : i32
    scf.for %scan3A_423 = %scan3A_372 to %scan3A_374 step %scan3A_375  : i32 {
      %mul3A_424 = arith.constant 16 : i32
      %mul3A_425 = arith.muli %scan3A_423, %mul3A_424 : i32
      %get3A = arith.index_cast %mul3A_425 : i32 to index
      %get3A_426 = tpu.vector_load %arg4[%get3A] {strides = array<i32>} : memref<512xi32, #tpu.memory_space<vmem>>, vector<16xi32>,
      %sub3A = arith.constant 720 : i32
      %sub3A_427 = vector.broadcast %sub3A : i32 to vector<16xi32>
      %sub3A_428 = arith.subi %get3A_426, %sub3A_427 : vector<16xi32>
      %ge3A = arith.constant 720 : i32
      %ge3A_429 = vector.broadcast %ge3A : i32 to vector<16xi32>
      %ge3A_430 = arith.cmpi sge, %get3A_426, %ge3A_429 : vector<16xi32>
      %lt3A = arith.constant 800 : i32
      %lt3A_431 = vector.broadcast %lt3A : i32 to vector<16xi32>
      %lt3A_432 = arith.cmpi slt, %get3A_426, %lt3A_431 : vector<16xi32>
      %and3A = arith.andi %ge3A_430, %lt3A_432 : vector<16xi1>
      %mul3A_433 = arith.constant 16 : i32
      %mul3A_434 = arith.muli %scan3A_423, %mul3A_433 : i32
      %add3A_435 = vector.broadcast %mul3A_434 : i32 to vector<16xi32>
      %add3A_436 = arith.addi %iota3A, %add3A_435 : vector<16xi32>
      tpu.vector_store_idx %arg5[%sub3A_428, %add3A_436], %broadcast_in_dim3A_4 masked %and3A : memref<80x512xf32, #tpu.memory_space<vmem>>[vector<16xi32>, vector<16xi32>], vector<16xf32>, vector<16xi1>
    }
    %scan3A_376 = arith.constant 32 : i32
    %scan3A_377 = arith.constant 0 : i32
    %scan3A_378 = arith.constant 0 : i32
    %scan3A_379 = arith.constant 32 : i32
    %scan3A_380 = arith.addi %scan3A_378, %scan3A_379 : i32
    %scan3A_381 = arith.constant 1 : i32
    scf.for %scan3A_423 = %scan3A_378 to %scan3A_380 step %scan3A_381  : i32 {
      %mul3A_424 = arith.constant 16 : i32
      %mul3A_425 = arith.muli %scan3A_423, %mul3A_424 : i32
      %get3A = arith.index_cast %mul3A_425 : i32 to index
      %get3A_426 = tpu.vector_load %arg4[%get3A] {strides = array<i32>} : memref<512xi32, #tpu.memory_space<vmem>>, vector<16xi32>,
      %sub3A = arith.constant 960 : i32
      %sub3A_427 = vector.broadcast %sub3A : i32 to vector<16xi32>
      %sub3A_428 = arith.subi %get3A_426, %sub3A_427 : vector<16xi32>
      %ge3A = arith.constant 960 : i32
      %ge3A_429 = vector.broadcast %ge3A : i32 to vector<16xi32>
      %ge3A_430 = arith.cmpi sge, %get3A_426, %ge3A_429 : vector<16xi32>
      %lt3A = arith.constant 1000 : i32
      %lt3A_431 = vector.broadcast %lt3A : i32 to vector<16xi32>
      %lt3A_432 = arith.cmpi slt, %get3A_426, %lt3A_431 : vector<16xi32>
      %and3A = arith.andi %ge3A_430, %lt3A_432 : vector<16xi1>
      %mul3A_433 = arith.constant 16 : i32
      %mul3A_434 = arith.muli %scan3A_423, %mul3A_433 : i32
      %add3A_435 = vector.broadcast %mul3A_434 : i32 to vector<16xi32>
      %add3A_436 = arith.addi %iota3A, %add3A_435 : vector<16xi32>
      tpu.vector_store_idx %arg5[%sub3A_428, %add3A_436], %broadcast_in_dim3A_6 masked %and3A : memref<80x512xf32, #tpu.memory_space<vmem>>[vector<16xi32>, vector<16xi32>], vector<16xf32>, vector<16xi1>
    }
    %scan3A_382 = arith.constant 32 : i32
    %dma_start3A_383 = arith.constant 0 : i32
    %dma_start3A_384 = arith.constant 0 : i32
    %dma_start3A_385 = tpu.memref_slice %arg5[%dma_start3A_383, %dma_start3A_384] : memref<80x512xf32, #tpu.memory_space<vmem>> -> memref<40x512xf32, #tpu.memory_space<vmem>>
    %dma_start3A_386 = arith.constant 960 : i32
    %dma_start3A_387 = tpu.memref_slice %arg3[%dma_start3A_386, %mul3A_2] : memref<1000x16384xf32, #tpu.memory_space<hbm>> -> memref<40x512xf32, #tpu.memory_space<hbm>>
    %dma_start3A_388 = arith.constant 960 : i32
    %dma_start3A_389 = tpu.memref_slice %arg3[%dma_start3A_388, %mul3A_2] : memref<1000x16384xf32, #tpu.memory_space<hbm>> -> memref<40x512xf32, #tpu.memory_space<hbm>>
    %dma_start3A_390 = arith.constant 0 : i32
    %dma_start3A_391 = arith.constant 0 : i32
    %dma_start3A_392 = tpu.memref_slice %arg5[%dma_start3A_390, %dma_start3A_391] : memref<80x512xf32, #tpu.memory_space<vmem>> -> memref<40x512xf32, #tpu.memory_space<vmem>>
    tpu.enqueue_dma source(%dma_start3A_392 : memref<40x512xf32, #tpu.memory_space<vmem>>) target(%dma_start3A_389 : memref<40x512xf32, #tpu.memory_space<hbm>>) target_semaphore(%arg8 : memref<!tpu.dma_semaphore, #tpu.memory_space<semaphore_mem>>)
    %dma_wait3A_393 = arith.constant 0 : i32
    %dma_wait3A_394 = arith.constant 0 : i32
    %dma_wait3A_395 = tpu.memref_slice %arg5[%dma_wait3A_393, %dma_wait3A_394] : memref<80x512xf32, #tpu.memory_space<vmem>> -> memref<40x512xf32, #tpu.memory_space<vmem>>
    %dma_wait3A_396 = arith.constant 960 : i32
    %dma_wait3A_397 = tpu.memref_slice %arg3[%dma_wait3A_396, %mul3A_2] : memref<1000x16384xf32, #tpu.memory_space<hbm>> -> memref<40x512xf32, #tpu.memory_space<hbm>>
    %dma_wait3A_398 = arith.constant 960 : i32
    %dma_wait3A_399 = tpu.memref_slice %arg3[%dma_wait3A_398, %mul3A_2] : memref<1000x16384xf32, #tpu.memory_space<hbm>> -> memref<40x512xf32, #tpu.memory_space<hbm>>
    %dma_wait3A_400 = arith.constant 0 : i32
    %dma_wait3A_401 = arith.constant 0 : i32
    %dma_wait3A_402 = tpu.memref_slice %arg5[%dma_wait3A_400, %dma_wait3A_401] : memref<80x512xf32, #tpu.memory_space<vmem>> -> memref<40x512xf32, #tpu.memory_space<vmem>>
    tpu.wait_dma2 semaphore(%arg8 : memref<!tpu.dma_semaphore, #tpu.memory_space<semaphore_mem>>) src(%dma_wait3A_402 : memref<40x512xf32, #tpu.memory_space<vmem>>) dst(%dma_wait3A_399 : memref<40x512xf32, #tpu.memory_space<hbm>>)
    %dma_wait3A_403 = arith.constant 0 : i32
    %dma_wait3A_404 = arith.constant 0 : i32
    %dma_wait3A_405 = tpu.memref_slice %arg6[%dma_wait3A_403, %dma_wait3A_404] : memref<80x512xf32, #tpu.memory_space<vmem>> -> memref<80x512xf32, #tpu.memory_space<vmem>>
    %dma_wait3A_406 = arith.constant 800 : i32
    %dma_wait3A_407 = tpu.memref_slice %arg3[%dma_wait3A_406, %mul3A_2] : memref<1000x16384xf32, #tpu.memory_space<hbm>> -> memref<80x512xf32, #tpu.memory_space<hbm>>
    %dma_wait3A_408 = arith.constant 800 : i32
    %dma_wait3A_409 = tpu.memref_slice %arg3[%dma_wait3A_408, %mul3A_2] : memref<1000x16384xf32, #tpu.memory_space<hbm>> -> memref<80x512xf32, #tpu.memory_space<hbm>>
    %dma_wait3A_410 = arith.constant 0 : i32
    %dma_wait3A_411 = arith.constant 0 : i32
    %dma_wait3A_412 = tpu.memref_slice %arg6[%dma_wait3A_410, %dma_wait3A_411] : memref<80x512xf32, #tpu.memory_space<vmem>> -> memref<80x512xf32, #tpu.memory_space<vmem>>
    tpu.wait_dma2 semaphore(%arg9 : memref<!tpu.dma_semaphore, #tpu.memory_space<semaphore_mem>>) src(%dma_wait3A_412 : memref<80x512xf32, #tpu.memory_space<vmem>>) dst(%dma_wait3A_409 : memref<80x512xf32, #tpu.memory_space<hbm>>)
    %dma_wait3A_413 = arith.constant 0 : i32
    %dma_wait3A_414 = arith.constant 0 : i32
    %dma_wait3A_415 = tpu.memref_slice %arg7[%dma_wait3A_413, %dma_wait3A_414] : memref<80x512xf32, #tpu.memory_space<vmem>> -> memref<80x512xf32, #tpu.memory_space<vmem>>
    %dma_wait3A_416 = arith.constant 880 : i32
    %dma_wait3A_417 = tpu.memref_slice %arg3[%dma_wait3A_416, %mul3A_2] : memref<1000x16384xf32, #tpu.memory_space<hbm>> -> memref<80x512xf32, #tpu.memory_space<hbm>>
    %dma_wait3A_418 = arith.constant 880 : i32
    %dma_wait3A_419 = tpu.memref_slice %arg3[%dma_wait3A_418, %mul3A_2] : memref<1000x16384xf32, #tpu.memory_space<hbm>> -> memref<80x512xf32, #tpu.memory_space<hbm>>
    %dma_wait3A_420 = arith.constant 0 : i32
    %dma_wait3A_421 = arith.constant 0 : i32
    %dma_wait3A_422 = tpu.memref_slice %arg7[%dma_wait3A_420, %dma_wait3A_421] : memref<80x512xf32, #tpu.memory_space<vmem>> -> memref<80x512xf32, #tpu.memory_space<vmem>>
    tpu.wait_dma2 semaphore(%arg10 : memref<!tpu.dma_semaphore, #tpu.memory_space<semaphore_mem>>) src(%dma_wait3A_422 : memref<80x512xf32, #tpu.memory_space<vmem>>) dst(%dma_wait3A_419 : memref<80x512xf32, #tpu.memory_space<hbm>>)
    return
  }
}

</mosaic_0001>

<sc_bundles>
// kernel: kernel.3.cloned.1.call-start
scs
__scs_entry_jumppad:
0x0: {  	(pc) =	sbr.rel $0x88, $3  }
0x1: {  	(tag) =	ssettag $0x0;
	lr =	simm.s32 $0x1  }
0x2: {  	[smem:$0x3FA0] =	sst lr;
	_ =	strace $0xD0000000  }
0x3: {  	_ = 	snop  }
0x4: {  	_ = 	snop  }
0x5: {  	_ = 	snop  }
0x6: {  	_ = 	snop  }
0x7: {  	_ = 	snop  }
__scs_overlays_trampoline_lowered:
0x8: {  	[smem:$0x3FAF] =	sst s0  }
0x9: {  	[smem:$0x3FB0] =	sst s1  }
0xa: {  	[smem:$0x3FB1] =	sst s2  }
0xb: {  	[smem:$0x3FB2] =	sst s3  }
0xc: {  	[smem:$0x3FB3] =	sst s4  }
0xd: {  	[smem:$0x3FB4] =	sst s5  }
0xe: {  	[smem:$0x3FB5] =	sst s6  }
0xf: {  	[smem:$0x3FB6] =	sst s7  }
0x10: {  	[smem:$0x3FB7] =	sst s8  }
0x11: {  	[smem:$0x3FB8] =	sst s9;
	s0 =	simm.s32 @!p0 $0x0  }
0x12: {  	s1 =	sld [smem:$0x3F9E];
	s0 =	simm.s32 @p0 $0x1  }
0x13: {  	[smem:$0x3FB9] =	sst s0;
	s0 =	simm.s32 @!p1 $0x0  }
0x14: {  	s2 =	sld [smem:$0x3F9D];
	s0 =	simm.s32 @p1 $0x1  }
0x15: {  	[smem:$0x3FBA] =	sst s0;
	s0 =	simm.s32 @!p2 $0x0  }
0x16: {  	s3 =	sld [smem:$0x3FDB];
	s0 =	simm.s32 @p2 $0x1  }
0x17: {  	s4 =	simm.s32 $0x1BF5;
	[smem:$0x3FBC] =	sst s0  }
0x18: {  	s0 =	sld [smem:$0x3F9F];
	_ =	swait.ge [sflag:s4], $0x0  }
0x19: {  	s7 =	sld [smem:$0x3FA0]  }
0x1a: {  	s8 =	sadd.s32 $0xFFFFE003, lr  }
0x1b: {  	s9 =	sadd.s32 $0xFFFFFEF7, lr;
	s5 =	simm.s32 $0xFFFFFFFF;
	p2 =	slt.u32 s8, $0xFFFFF086  }
0x1c: {  	p1 =	slt.u32 s9, $0xF7A;
	s5 =	simm.s32 @!p2 $0x0  }
0x1d: {  	s5 =	simm.s32 @p1 $0x1;
	p0 =	seq.s32 s7, s2  }
0x1e: {  	s7 =	smul.u32 @!p0 $0xF7A, s2;
	p2 =	seq.s32 @!p0 s5, $0x0  }
0x1f: {  	s9 =	smul.u32 $0xF7A, s1;
	s8 =	simm.s32 @!p0 $0x1BF5;
	p2 =	por !p2, p0  }
0x20: {  	[sflag:s8] =	ssyncset.s32 @!p0 $0xFFFFF086;
	s6 =	sadd.s32 @!p0 s3, s7;
	s7 =	simm.s32 @!p0 $0x108  }
0x21: {  	s3 =	sadd.s32 s3, s9;
	s6 =	sadd.s32 @!p0 $0x88, s6;
	s7 =	simm.s32 @p2 $0x1082  }
0x22: {  	[simem:s7], [sflag:s8] =	dma.local @!p0 [hbm:s6], $0xF7A  }
0x23: {  	s9 =	sor.u32 $0xD0000000, s2;
	s6 =	simm.s32 $0x108;
	_ =	swait.ge @!p0 [sflag:s8], $0x0  }
0x24: {  	s3 =	sadd.s32 $0x88, s3;
	s6 =	simm.s32 @!p1 $0x1082;
	[sflag:s4] =	ssyncset.s32 $0xFFFFF086  }
0x25: {  	[simem:s6], [sflag:s4] =	dma.local [hbm:s3], $0xF7A  }
0x26: {  	[smem:$0x3FA0] =	sst s1;
	(tag) =	ssettag s2;
	_ =	strace s9  }
0x27: {  	s1 =	sld [smem:$0x3FB0]  }
0x28: {  	s2 =	sld [smem:$0x3FB1]  }
0x29: {  	s4 =	sld [smem:$0x3FB3]  }
0x2a: {  	p0 =	seq.s32 s5, $0x0;
	s5 =	sld [smem:$0x3FB4]  }
0x2b: {  	s6 =	sld [smem:$0x3FB5]  }
0x2c: {  	s7 =	sld [smem:$0x3FB6]  }
0x2d: {  	s3 =	simm.s32 $0x108;
	s8 =	sld [smem:$0x3FB7]  }
0x2e: {  	s3 =	simm.s32 @!p0 $0x1082;
	s9 =	sld [smem:$0x3FB8]  }
0x2f: {  	lr =	sadd.s32 s0, s3;
	s0 =	sld [smem:$0x3FAF]  }
0x30: {  	s3 =	sld [smem:$0x3FB2]  }
0x31: {  	[smem:$0x3FBB] =	sst s10  }
0x32: {  	s10 =	sld [smem:$0x3FB9];
	_ =	sdelay $0x3  }
0x33: {  	p0 =	seq.s32 s10, $0x1;
	s10 =	sld [smem:$0x3FBB];
	_ =	sdelay $0x3  }
0x34: {  	[smem:$0x3FBB] =	sst s10  }
0x35: {  	s10 =	sld [smem:$0x3FBA];
	_ =	sdelay $0x3  }
0x36: {  	p1 =	seq.s32 s10, $0x1;
	s10 =	sld [smem:$0x3FBB];
	_ =	sdelay $0x3  }
0x37: {  	[smem:$0x3FBB] =	sst s10  }
0x38: {  	s10 =	sld [smem:$0x3FBC]  }
0x39: {  	_ = 	snop;
	(pc) =	sbr.ind lr, $3  }
0x3a: {  	_ = 	snop  }
0x3b: {  	_ = 	snop  }
0x3c: {  	p2 =	seq.s32 s10, $0x1;
	s10 =	sld [smem:$0x3FBB]  }
0x3d: {  	_ =	shalt  }
0x3e: {  	_ =	shalt  }
0x3f: {  	_ =	shalt  }
0x40: {  	_ =	shalt  }
0x41: {  	_ =	shalt  }
0x42: {  	_ =	shalt  }
0x43: {  	_ =	shalt  }
0x44: {  	_ =	shalt  }
0x45: {  	_ =	shalt  }
0x46: {  	_ =	shalt  }
0x47: {  	_ =	shalt  }
0x48: {  	_ =	shalt  }
0x49: {  	_ =	shalt  }
0x4a: {  	_ =	shalt  }
0x4b: {  	_ =	shalt  }
0x4c: {  	_ =	shalt  }
0x4d: {  	_ =	shalt  }
0x4e: {  	_ =	shalt  }
0x4f: {  	_ =	shalt  }
0x50: {  	_ =	shalt  }
0x51: {  	_ =	shalt  }
0x52: {  	_ =	shalt  }
0x53: {  	_ =	shalt  }
0x54: {  	_ =	shalt  }
0x55: {  	_ =	shalt  }
0x56: {  	_ =	shalt  }
0x57: {  	_ =	shalt  }
0x58: {  	_ =	shalt  }
0x59: {  	_ =	shalt  }
0x5a: {  	_ =	shalt  }
0x5b: {  	_ =	shalt  }
0x5c: {  	_ =	shalt  }
0x5d: {  	_ =	shalt  }
0x5e: {  	_ =	shalt  }
0x5f: {  	_ =	shalt  }
0x60: {  	_ =	shalt  }
0x61: {  	_ =	shalt  }
0x62: {  	_ =	shalt  }
0x63: {  	_ =	shalt  }
0x64: {  	_ =	shalt  }
0x65: {  	_ =	shalt  }
0x66: {  	_ =	shalt  }
0x67: {  	_ =	shalt  }
0x68: {  	_ =	shalt  }
0x69: {  	_ =	shalt  }
0x6a: {  	_ =	shalt  }
0x6b: {  	_ =	shalt  }
0x6c: {  	_ =	shalt  }
0x6d: {  	_ =	shalt  }
0x6e: {  	_ =	shalt  }
0x6f: {  	_ =	shalt  }
0x70: {  	_ =	shalt  }
0x71: {  	_ =	shalt  }
0x72: {  	_ =	shalt  }
0x73: {  	_ =	shalt  }
0x74: {  	_ =	shalt  }
0x75: {  	_ =	shalt  }
0x76: {  	_ =	shalt  }
0x77: {  	_ =	shalt  }
0x78: {  	_ =	shalt  }
0x79: {  	_ =	shalt  }
0x7a: {  	_ =	shalt  }
0x7b: {  	_ =	shalt  }
0x7c: {  	_ =	shalt  }
0x7d: {  	_ =	shalt  }
0x7e: {  	_ =	shalt  }
0x7f: {  	_ =	shalt  }
0x80: {  	_ =	shalt  }
0x81: {  	_ =	shalt  }
0x82: {  	_ =	shalt  }
0x83: {  	_ =	shalt  }
0x84: {  	_ =	shalt  }
0x85: {  	_ =	shalt  }
0x86: {  	_ =	shalt  }
0x87: {  	_ =	shalt  }
.Lfunc_end0:
.L_simem_size_0:
called_computation_lowered:
.L_overlay_start_0:
0x88: {  	s2 =	sld [smem:$0x3FD9]  }
0x89: {  	s3 =	sld [smem:$0x3FFE];
	_ =	sdelay $0x1  }
0x8a: {  	s1 =	srdreg.scid  }
0x8b: {  	s0 =	sand.u32 $0x1, s1  }
0x8c: {  	s18 =	sshll.u32 s0, $0xA;
	s2 =	sadd.s32 s3, s2  }
0x8d: {  	s2 =	sadd.s32 s2, s18  }
0x8e: {  	[smem:$0x3FC7] =	sst s2  }
0x8f: {  	_ = 	snop  }
0x90: {  	s2 =	sld [smem:$0x3FC9]  }
0x91: {  	s19 =	sld [smem:$0x3FD0];
	(tm) =	ssettm $0x1  }
0x92: {  	s4 =	sld [smem:$0x3FFB];
	_ =	sdelay $0x3  }
0x93: {  	_ =	strace s4  }
0x94: {  	s4 =	sld [smem:$0x3FFC];
	_ =	sdelay $0x3  }
0x95: {  	_ =	strace s4  }
0x96: {  	s4 =	sld [smem:$0x3FFD];
	_ =	sdelay $0x3  }
0x97: {  	_ =	strace s4  }
0x98: {  	_ =	strace $0x8FFFFFFF  }
0x99: {  	s20 =	sld [smem:$0x3FDB];
	_ =	sdelay $0x1  }
0x9a: {  	s5 =	simm.s32 $_scs_section_size  }
0x9b: {  	s6 =	simm.s32 $_size__tile_overlayer_lowered;
	s7 =	simm.s32 $_tile_overlayer_lowered  }
0x9c: {  	s23 =	simm.s32 $0x1BFF;
	s22 =	sshll.u32 s7, $0x1;
	s4 =	sadd.s32 s5, s20  }
0x9d: {  	s8 =	simm.s32 $0x0;
	s21 =	sshll.u32 s6, $0x1;
	s6 =	sadd.s32 s22, s4  }
0x9e: {  	[timem:s8], [sflag:s23] =	dma.local [hbm:s6], s21  }
0x9f: {  	_ =	swait.ge [sflag:s23], s21  }
0xa0: {  	s5 =	ssub.s32 $0x0, s21;
	[sflag:s23] =	ssyncset.done $0x0  }
0xa1: {  	[sflag:s23] =	ssyncadd.s32 s5;
	_ =	sdelay $0x1  }
0xa2: {  	s24 =	simm.s32 $0x1B8B  }
0xa3: {  	_ =	swait.ge [sflag:s24], $0x1  }
0xa4: {  	[sflag:s24] =	ssyncset.done $0x0  }
0xa5: {  	s25 =	simm.s32 $0x1B8E;
	[sflag:s24] =	ssyncadd.s32 $0xFFFFFFFF  }
0xa6: {  	s26 =	simm.s32 $execute0_lowered;
	[smem:$0x3FD2] =	sst s25  }
0xa7: {  	s5 =	sshll.u32 s26, $0x1;
	_ =	strace $0x80000046;
	[dreg:$0x1] =	wrdreg $0xFFFFFFFF  }
0xa8: {  	s28 =	simm.s32 $_size_execute0_lowered;
	s4 =	sadd.s32 s4, s5;
	[dreg:$0x0] =	wrdreg $0x0  }
0xa9: {  	s5 =	sshll.u32 s28, $0x1;
	[dreg:$0x2] =	wrdreg s4  }
0xaa: {  	[dreg:$0x3] =	wrdreg s5  }
0xab: {  	[dreg:$0x4] =	wrdreg $0xC0  }
0xac: {  	_ =	task [dreg:s8], $0x5FFFF  }
0xad: {  	[dreg:$0x1] =	wrdreg $0xFFFFFFFF  }
0xae: {  	[dreg:$0x0] =	wrdreg $0x60  }
0xaf: {  	[dreg:$0x2] =	wrdreg s2  }
0xb0: {  	[dreg:$0x3] =	wrdreg s19  }
0xb1: {  	[dreg:$0x4] =	wrdreg $0x9  }
0xb2: {  	_ =	task.clear_ibuf [dreg:s8], $0x5FFFF;
	_ =	strace $0x90000046  }
0xb3: {  	s29 =	simm.s32 $0x9;
	_ =	strace $0x80000048  }
0xb4: {  	_ =	swait.ge [sflag:s29], $0x1  }
0xb5: {  	[sflag:s29] =	ssyncadd.s32 $0xFFFFFFFF  }
0xb6: {  	_ =	strace $0x90000048  }
0xb7: {  	_ =	sfence  }
0xb8: {  	s30 =	sld [smem:$0x0];
	_ =	sdelay $0x2  }
0xb9: {  	s31 =	sshll.u32 s1, $0xD;
	s1 =	sshrl.u32 s1, $0x2  }
0xba: {  	s3 =	sand.u32 $0x4000, s31;
	s1 =	sadd.s32 s1, s30  }
0xbb: {  	s0 =	sor.u32 s3, s0;
	s1 =	sshll.u32 s1, $0x11  }
0xbc: {  	s0 =	sor.u32 s1, s0  }
0xbd: {  	s0 =	sadd.s32 $0x8F2B, s0  }
0xbe: {  	[sflag:s0] =	ssyncadd.remote.s32 $0x1  }
0xbf: {  	_ =	sfence.sel $0xFFFF  }
0xc0: {  	[dreg:$0x0] =	wrdreg $0xFFFFFFFF;
	(pc) =	sbr.abs _section_cstart, $3  }
0xc1: {  	[dreg:$0x1] =	wrdreg $0xFFFFFFFF  }
0xc2: {  	_ =	task.clear_ibuf [dreg:s8], $0x2FFFF;
	_ =	strace $0x9FFFFFFF  }
0xc3: {  	(tm) =	ssettm $0x7FFFFFFF  }
tec
execute0_lowered:
.L_overlay_start_1:
0x0: {  	(tag) =	ssettag $0x1  }
0x1: {  	s0 =	rddreg [dreg:$0x0]  }
0x2: {  	s1 =	rddreg [dreg:$0x1]  }
0x3: {  	s2 =	simm.s32 $0x0;
	s3 =	srdreg.scid;
	s5 =	stileid.u32  }
0x4: {  	s18 =	simm.s32 $0x4;
	s19 =	simm.s32 $0x200;
	s20 =	simm.s32 $0x1000  }
0x5: {  	s21 =	simm.s32 $0x20000;
	s22 =	simm.s32 $0xA200;
	s23 =	simm.s32 $0x14200  }
0x6: {  	s24 =	simm.s32 $0x1;
	s25 =	simm.s32 $0x2;
	s26 =	simm.s32 $0x3  }
0x7: {  	s28 =	simm.s32 $0x0;
	[smem:$0x7FF] =	sst s2;
	s3 =	sand.u32 $0x1, s3  }
0x8: {  	s5 =	sshll.u32 s5, $0xA;
	s4 =	ssub.s32 $0x2, s3;
	s3 =	sshll.u32 s3, $0x9  }
0x9: {  	_ =	strace $0x80000047;
	s6 =	sshrl.u32 s4, $0x1;
	s3 =	sor.u32 s3, s5  }
0xa: {  	s4 =	ssub.s32 s4, s6;
	s5 =	sshrl.u32 s3, $0x3;
	s3 =	sadd.s32 s1, s3  }
0xb: {  	s0 =	sadd.s32 s0, s5;
	s5 =	sadd.s32 $0x28000, s3;
	s6 =	sadd.s32 $0x50000, s3  }
0xc: {  	s7 =	sadd.s32 $0x78000, s3;
	s8 =	sadd.s32 $0xA0000, s3;
	s9 =	sadd.s32 $0xC8000, s3  }
0xd: {  	s10 =	sadd.s32 $0xF0000, s3;
	s11 =	sadd.s32 $0x118000, s3;
	s12 =	sadd.s32 $0x140000, s3  }
0xe: {  	s13 =	sadd.s32 $0x168000, s3;
	s14 =	sadd.s32 $0x190000, s3;
	s15 =	sadd.s32 $0x1B8000, s3  }
0xf: {  	v0 =	vimm.f32 $0.0e+00;
	v1 =	vlaneseq.u32;
	v2 =	vimm.f32 $1.000000000e+00;
	s16 =	sadd.s32 $0x1E0000, s3;
	s17 =	smax.u32 s4, $0x1;
	[dreg:$0x3] =	wrdreg s0  }
.LBB2_1:
0x10: {  	s0 =	rddreg [dreg:$0x3];
	s4 =	sand.u32 $0xF000, s2;
	s1 =	sand.u32 $0x380, s2  }
0x11: {  	[tilespmem:s2], [sflag:$0x4] =	stream.linear.gather [hbm4b:s0+s2], $0x200, $0x38;
	[tilespmem:$0x1E200] =	vst v63  }
0x12: {  	s29 =	sor.u32 s1, s4  }
0x13: {  	[tilespmem:s29+$0xE70] =	vst v0  }
0x14: {  	[tilespmem:s29+$0x200] =	vst v0  }
0x15: {  	[tilespmem:s29+$0x210] =	vst v0  }
0x16: {  	[tilespmem:s29+$0x220] =	vst v0  }
0x17: {  	[tilespmem:s29+$0x230] =	vst v0  }
0x18: {  	[tilespmem:s29+$0x240] =	vst v0  }
0x19: {  	[tilespmem:s29+$0x250] =	vst v0  }
0x1a: {  	[tilespmem:s29+$0x260] =	vst v0  }
0x1b: {  	[tilespmem:s29+$0x270] =	vst v0  }
0x1c: {  	[tilespmem:s29+$0x600] =	vst v0  }
0x1d: {  	[tilespmem:s29+$0x610] =	vst v0  }
0x1e: {  	[tilespmem:s29+$0x620] =	vst v0  }
0x1f: {  	[tilespmem:s29+$0x630] =	vst v0  }
0x20: {  	[tilespmem:s29+$0x640] =	vst v0  }
0x21: {  	[tilespmem:s29+$0x650] =	vst v0  }
0x22: {  	[tilespmem:s29+$0x660] =	vst v0  }
0x23: {  	[tilespmem:s29+$0x670] =	vst v0  }
0x24: {  	[tilespmem:s29+$0xA00] =	vst v0  }
0x25: {  	[tilespmem:s29+$0xA10] =	vst v0  }
0x26: {  	[tilespmem:s29+$0xA20] =	vst v0  }
0x27: {  	[tilespmem:s29+$0xA30] =	vst v0  }
0x28: {  	[tilespmem:s29+$0xA40] =	vst v0  }
0x29: {  	[tilespmem:s29+$0xA50] =	vst v0  }
0x2a: {  	[tilespmem:s29+$0xA60] =	vst v0  }
0x2b: {  	[tilespmem:s29+$0xA70] =	vst v0  }
0x2c: {  	[tilespmem:s29+$0xE00] =	vst v0  }
0x2d: {  	[tilespmem:s29+$0xE10] =	vst v0  }
0x2e: {  	[tilespmem:s29+$0xE20] =	vst v0  }
0x2f: {  	[tilespmem:s29+$0xE30] =	vst v0  }
0x30: {  	s30 =	simm.s32 $0x80;
	s4 =	simm.s32 $0x200;
	[tilespmem:s29+$0xE40] =	vst v0  }
0x31: {  	s1 =	sand.u32 $0x380, s30;
	s0 =	simm.s32 $0x400;
	s31 =	sand.u32 $0xF000, s4;
	[tilespmem:s29+$0xE50] =	vst v0  }
.LBB2_2:
0x32: {  	p0 =	sne.s32 s0, $0x9E00;
	[tilespmem:s29+$0xE60] =	vst v0;
	s29 =	sor.u32 s1, s31  }
0x33: {  	[tilespmem:s29+$0xE70] =	vst v0  }
0x34: {  	[tilespmem:s29+$0x200] =	vst v0  }
0x35: {  	[tilespmem:s29+$0x210] =	vst v0  }
0x36: {  	[tilespmem:s29+$0x220] =	vst v0  }
0x37: {  	[tilespmem:s29+$0x230] =	vst v0  }
0x38: {  	[tilespmem:s29+$0x240] =	vst v0  }
0x39: {  	[tilespmem:s29+$0x250] =	vst v0  }
0x3a: {  	[tilespmem:s29+$0x260] =	vst v0  }
0x3b: {  	[tilespmem:s29+$0x270] =	vst v0  }
0x3c: {  	[tilespmem:s29+$0x600] =	vst v0  }
0x3d: {  	[tilespmem:s29+$0x610] =	vst v0  }
0x3e: {  	[tilespmem:s29+$0x620] =	vst v0  }
0x3f: {  	[tilespmem:s29+$0x630] =	vst v0  }
0x40: {  	[tilespmem:s29+$0x640] =	vst v0  }
0x41: {  	[tilespmem:s29+$0x650] =	vst v0  }
0x42: {  	[tilespmem:s29+$0x660] =	vst v0  }
0x43: {  	[tilespmem:s29+$0x670] =	vst v0  }
0x44: {  	[tilespmem:s29+$0xA00] =	vst v0  }
0x45: {  	[tilespmem:s29+$0xA10] =	vst v0  }
0x46: {  	[tilespmem:s29+$0xA20] =	vst v0  }
0x47: {  	[tilespmem:s29+$0xA30] =	vst v0  }
0x48: {  	[tilespmem:s29+$0xA40] =	vst v0  }
0x49: {  	[tilespmem:s29+$0xA50] =	vst v0  }
0x4a: {  	[tilespmem:s29+$0xA60] =	vst v0  }
0x4b: {  	[tilespmem:s29+$0xA70] =	vst v0  }
0x4c: {  	[tilespmem:s29+$0xE00] =	vst v0  }
.Ltmp0:
0x4d: {  	[tilespmem:s29+$0xE10] =	vst v0;
	(pc) =	sbr.rel @p0 .LBB2_2-.Ltmp0, $4  }
0x4e: {  	[tilespmem:s29+$0xE20] =	vst v0  }
0x4f: {  	[tilespmem:s29+$0xE30] =	vst v0  }
0x50: {  	s30 =	sadd.s32 $0x80, s30;
	[tilespmem:s29+$0xE40] =	vst v0  }
0x51: {  	s31 =	sand.u32 $0xF000, s0;
	s0 =	sadd.s32 $0x200, s0;
	s1 =	sand.u32 $0x380, s30;
	[tilespmem:s29+$0xE50] =	vst v0  }
0x52: {  	s0 =	sor.u32 s1, s31;
	[tilespmem:s29+$0xE60] =	vst v0  }
0x53: {  	[tilespmem:s0+$0xE70] =	vst v0  }
0x54: {  	[tilespmem:s0+$0x200] =	vst v0  }
0x55: {  	[tilespmem:s0+$0x210] =	vst v0  }
0x56: {  	[tilespmem:s0+$0x220] =	vst v0  }
0x57: {  	[tilespmem:s0+$0x230] =	vst v0  }
0x58: {  	[tilespmem:s0+$0x240] =	vst v0  }
0x59: {  	[tilespmem:s0+$0x250] =	vst v0  }
0x5a: {  	[tilespmem:s0+$0x260] =	vst v0  }
0x5b: {  	[tilespmem:s0+$0x270] =	vst v0  }
0x5c: {  	[tilespmem:s0+$0x600] =	vst v0  }
0x5d: {  	[tilespmem:s0+$0x610] =	vst v0  }
0x5e: {  	[tilespmem:s0+$0x620] =	vst v0  }
0x5f: {  	[tilespmem:s0+$0x630] =	vst v0  }
0x60: {  	[tilespmem:s0+$0x640] =	vst v0  }
0x61: {  	[tilespmem:s0+$0x650] =	vst v0  }
0x62: {  	[tilespmem:s0+$0x660] =	vst v0  }
0x63: {  	[tilespmem:s0+$0x670] =	vst v0  }
0x64: {  	[tilespmem:s0+$0xA00] =	vst v0  }
0x65: {  	[tilespmem:s0+$0xA10] =	vst v0  }
0x66: {  	[tilespmem:s0+$0xA20] =	vst v0  }
0x67: {  	[tilespmem:s0+$0xA30] =	vst v0  }
0x68: {  	[tilespmem:s0+$0xA40] =	vst v0  }
0x69: {  	[tilespmem:s0+$0xA50] =	vst v0  }
0x6a: {  	[tilespmem:s0+$0xA60] =	vst v0  }
0x6b: {  	[tilespmem:s0+$0xA70] =	vst v0  }
0x6c: {  	[tilespmem:s0+$0xE00] =	vst v0  }
0x6d: {  	[tilespmem:s0+$0xE10] =	vst v0  }
0x6e: {  	[tilespmem:s0+$0xE20] =	vst v0  }
0x6f: {  	[tilespmem:s0+$0xE30] =	vst v0  }
0x70: {  	[tilespmem:s0+$0xE40] =	vst v0  }
0x71: {  	[tilespmem:s0+$0xE50] =	vst v0  }
0x72: {  	[tilespmem:s0+$0xE60] =	vst v0  }
0x73: {  	_ =	swait.ge [sflag:s18], $0x200  }
0x74: {  	[sflag:s18] =	ssyncset.done $0x0  }
0x75: {  	s0 =	simm.s32 $0x0;
	[sflag:s18] =	ssyncadd.s32 $0xFFFFFE00  }
0x76: {  	s29 =	simm.s32 $0x10;
	s30 =	simm.s32 $0x0;
	v3 =	vld [tilespmem:s0+$0x0]  }
.LBB2_4:
0x77: {  	p0 =	sne.s32 s29, $0x1F0;
	_ =	sdelay $0x1  }
0x78: {  	v4 =	vmov s0  }
0x79: {  	v5 =	vor.u32 s0, v1;
	s0 =	smov.u32 s29;
	v4 =	vshll.u32 v4, $0x3  }
0x7a: {  	v5 =	vand.u32 $0x7F, v5;
	v4 =	vand.u32 $0xC00, v4;
	v6 =	vshll.u32 v3, $0x9  }
0x7b: {  	v4 =	vor.u32 v4, v5;
	v7 =	vshll.u32 v3, $0x7;
	v6 =	vand.u32 $0xFFFFF000, v6  }
0x7c: {  	vm0 =	vlt.u32 v3, $0x50;
	v3 =	vand.u32 $0x380, v7;
	v4 =	vor.u32 v6, v4  }
0x7d: {  	v3 =	vor.u32 v3, v4;
	_ =	sdelay $0x1  }
.Ltmp1:
0x7e: {  	(pc) =	sbr.rel @p0 .LBB2_4-.Ltmp1, $3  }
0x7f: {  	_ =	sdelay $0x1  }
0x80: {  	s30 =	sadd.s32 $0x10, s30;
	[tilespmem:v3+s19+$0x0] =	vst.idx.msk vm0, v2  }
0x81: {  	s29 =	sadd.s32 $0x10, s29;
	v3 =	vld [tilespmem:s30+$0x0]  }
0x82: {  	_ =	sdelay $0x1  }
0x83: {  	v4 =	vmov s0  }
0x84: {  	v5 =	vor.u32 s0, v1;
	v4 =	vshll.u32 v4, $0x3  }
0x85: {  	v5 =	vand.u32 $0x7F, v5;
	v4 =	vand.u32 $0xC00, v4;
	v6 =	vshll.u32 v3, $0x9  }
0x86: {  	v4 =	vor.u32 v4, v5;
	v7 =	vshll.u32 v3, $0x7;
	v6 =	vand.u32 $0xFFFFF000, v6  }
0x87: {  	vm0 =	vlt.u32 v3, $0x50;
	v3 =	vand.u32 $0x380, v7;
	v4 =	vor.u32 v6, v4  }
0x88: {  	v3 =	vor.u32 v3, v4;
	_ =	sdelay $0x2  }
0x89: {  	s29 =	simm.s32 $0x0  }
0x8a: {  	s4 =	sand.u32 $0xF000, s29;
	s1 =	sand.u32 $0x380, s29  }
0x8b: {  	s30 =	sor.u32 s1, s4;
	[tilespmem:v3+s19+$0x0] =	vst.idx.msk vm0, v2  }
0x8c: {  	[hbm4b:s3+s20] =	stream.strided.scatter [tilespmem:s19], [sflag:$0x1], $0xA000, s21, s20, $0x38;
	[tilespmem:$0x1E200] =	vst v63  }
0x8d: {  	[tilespmem:s30+$0xAE70] =	vst v0  }
0x8e: {  	[tilespmem:s30+$0xA200] =	vst v0  }
0x8f: {  	[tilespmem:s30+$0xA210] =	vst v0  }
0x90: {  	[tilespmem:s30+$0xA220] =	vst v0  }
0x91: {  	[tilespmem:s30+$0xA230] =	vst v0  }
0x92: {  	[tilespmem:s30+$0xA240] =	vst v0  }
0x93: {  	[tilespmem:s30+$0xA250] =	vst v0  }
0x94: {  	[tilespmem:s30+$0xA260] =	vst v0  }
0x95: {  	[tilespmem:s30+$0xA270] =	vst v0  }
0x96: {  	[tilespmem:s30+$0xA600] =	vst v0  }
0x97: {  	[tilespmem:s30+$0xA610] =	vst v0  }
0x98: {  	[tilespmem:s30+$0xA620] =	vst v0  }
0x99: {  	[tilespmem:s30+$0xA630] =	vst v0  }
0x9a: {  	[tilespmem:s30+$0xA640] =	vst v0  }
0x9b: {  	[tilespmem:s30+$0xA650] =	vst v0  }
0x9c: {  	[tilespmem:s30+$0xA660] =	vst v0  }
0x9d: {  	[tilespmem:s30+$0xA670] =	vst v0  }
0x9e: {  	[tilespmem:s30+$0xAA00] =	vst v0  }
0x9f: {  	[tilespmem:s30+$0xAA10] =	vst v0  }
0xa0: {  	[tilespmem:s30+$0xAA20] =	vst v0  }
0xa1: {  	[tilespmem:s30+$0xAA30] =	vst v0  }
0xa2: {  	[tilespmem:s30+$0xAA40] =	vst v0  }
0xa3: {  	[tilespmem:s30+$0xAA50] =	vst v0  }
0xa4: {  	[tilespmem:s30+$0xAA60] =	vst v0  }
0xa5: {  	[tilespmem:s30+$0xAA70] =	vst v0  }
0xa6: {  	[tilespmem:s30+$0xAE00] =	vst v0  }
0xa7: {  	[tilespmem:s30+$0xAE10] =	vst v0  }
0xa8: {  	[tilespmem:s30+$0xAE20] =	vst v0  }
0xa9: {  	[tilespmem:s30+$0xAE30] =	vst v0  }
0xaa: {  	s31 =	simm.s32 $0x80;
	s4 =	simm.s32 $0x200;
	[tilespmem:s30+$0xAE40] =	vst v0  }
0xab: {  	s0 =	simm.s32 $0x400;
	s1 =	sand.u32 $0xF000, s4;
	s4 =	sand.u32 $0x380, s31;
	[tilespmem:s30+$0xAE50] =	vst v0  }
.LBB2_6:
0xac: {  	p0 =	sne.s32 s0, $0x9E00;
	[tilespmem:s30+$0xAE60] =	vst v0;
	s30 =	sor.u32 s4, s1  }
0xad: {  	[tilespmem:s30+$0xAE70] =	vst v0  }
0xae: {  	[tilespmem:s30+$0xA200] =	vst v0  }
0xaf: {  	[tilespmem:s30+$0xA210] =	vst v0  }
0xb0: {  	[tilespmem:s30+$0xA220] =	vst v0  }
0xb1: {  	[tilespmem:s30+$0xA230] =	vst v0  }
0xb2: {  	[tilespmem:s30+$0xA240] =	vst v0  }
0xb3: {  	[tilespmem:s30+$0xA250] =	vst v0  }
0xb4: {  	[tilespmem:s30+$0xA260] =	vst v0  }
0xb5: {  	[tilespmem:s30+$0xA270] =	vst v0  }
0xb6: {  	[tilespmem:s30+$0xA600] =	vst v0  }
0xb7: {  	[tilespmem:s30+$0xA610] =	vst v0  }
0xb8: {  	[tilespmem:s30+$0xA620] =	vst v0  }
0xb9: {  	[tilespmem:s30+$0xA630] =	vst v0  }
0xba: {  	[tilespmem:s30+$0xA640] =	vst v0  }
0xbb: {  	[tilespmem:s30+$0xA650] =	vst v0  }
0xbc: {  	[tilespmem:s30+$0xA660] =	vst v0  }
0xbd: {  	[tilespmem:s30+$0xA670] =	vst v0  }
0xbe: {  	[tilespmem:s30+$0xAA00] =	vst v0  }
0xbf: {  	[tilespmem:s30+$0xAA10] =	vst v0  }
0xc0: {  	[tilespmem:s30+$0xAA20] =	vst v0  }
0xc1: {  	[tilespmem:s30+$0xAA30] =	vst v0  }
0xc2: {  	[tilespmem:s30+$0xAA40] =	vst v0  }
0xc3: {  	[tilespmem:s30+$0xAA50] =	vst v0  }
0xc4: {  	[tilespmem:s30+$0xAA60] =	vst v0  }
0xc5: {  	[tilespmem:s30+$0xAA70] =	vst v0  }
0xc6: {  	[tilespmem:s30+$0xAE00] =	vst v0  }
.Ltmp2:
0xc7: {  	[tilespmem:s30+$0xAE10] =	vst v0;
	(pc) =	sbr.rel @p0 .LBB2_6-.Ltmp2, $4  }
0xc8: {  	[tilespmem:s30+$0xAE20] =	vst v0  }
0xc9: {  	[tilespmem:s30+$0xAE30] =	vst v0  }
0xca: {  	s31 =	sadd.s32 $0x80, s31;
	[tilespmem:s30+$0xAE40] =	vst v0  }
0xcb: {  	s1 =	sand.u32 $0xF000, s0;
	s0 =	sadd.s32 $0x200, s0;
	s4 =	sand.u32 $0x380, s31;
	[tilespmem:s30+$0xAE50] =	vst v0  }
0xcc: {  	s0 =	sor.u32 s4, s1;
	[tilespmem:s30+$0xAE60] =	vst v0  }
0xcd: {  	[tilespmem:s0+$0xAE70] =	vst v0  }
0xce: {  	[tilespmem:s0+$0xA200] =	vst v0  }
0xcf: {  	[tilespmem:s0+$0xA210] =	vst v0  }
0xd0: {  	[tilespmem:s0+$0xA220] =	vst v0  }
0xd1: {  	[tilespmem:s0+$0xA230] =	vst v0  }
0xd2: {  	[tilespmem:s0+$0xA240] =	vst v0  }
0xd3: {  	[tilespmem:s0+$0xA250] =	vst v0  }
0xd4: {  	[tilespmem:s0+$0xA260] =	vst v0  }
0xd5: {  	[tilespmem:s0+$0xA270] =	vst v0  }
0xd6: {  	[tilespmem:s0+$0xA600] =	vst v0  }
0xd7: {  	[tilespmem:s0+$0xA610] =	vst v0  }
0xd8: {  	[tilespmem:s0+$0xA620] =	vst v0  }
0xd9: {  	[tilespmem:s0+$0xA630] =	vst v0  }
0xda: {  	[tilespmem:s0+$0xA640] =	vst v0  }
0xdb: {  	[tilespmem:s0+$0xA650] =	vst v0  }
0xdc: {  	[tilespmem:s0+$0xA660] =	vst v0  }
0xdd: {  	[tilespmem:s0+$0xA670] =	vst v0  }
0xde: {  	[tilespmem:s0+$0xAA00] =	vst v0  }
0xdf: {  	[tilespmem:s0+$0xAA10] =	vst v0  }
0xe0: {  	[tilespmem:s0+$0xAA20] =	vst v0  }
0xe1: {  	[tilespmem:s0+$0xAA30] =	vst v0  }
0xe2: {  	[tilespmem:s0+$0xAA40] =	vst v0  }
0xe3: {  	[tilespmem:s0+$0xAA50] =	vst v0  }
0xe4: {  	[tilespmem:s0+$0xAA60] =	vst v0  }
0xe5: {  	[tilespmem:s0+$0xAA70] =	vst v0  }
0xe6: {  	[tilespmem:s0+$0xAE00] =	vst v0  }
0xe7: {  	[tilespmem:s0+$0xAE10] =	vst v0  }
0xe8: {  	[tilespmem:s0+$0xAE20] =	vst v0  }
0xe9: {  	[tilespmem:s0+$0xAE30] =	vst v0  }
0xea: {  	[tilespmem:s0+$0xAE40] =	vst v0  }
0xeb: {  	[tilespmem:s0+$0xAE50] =	vst v0  }
0xec: {  	[tilespmem:s0+$0xAE60] =	vst v0  }
0xed: {  	s30 =	simm.s32 $0x0;
	s0 =	simm.s32 $0x10;
	v3 =	vld [tilespmem:s29+$0x0]  }
.LBB2_8:
0xee: {  	p0 =	sne.s32 s0, $0x1F0;
	_ =	sdelay $0x2  }
0xef: {  	v4 =	vmov s29  }
0xf0: {  	v4 =	vshll.u32 v4, $0x3;
	v5 =	vshll.u32 v3, $0x9  }
0xf1: {  	v4 =	vand.u32 $0xC00, v4;
	v6 =	vshll.u32 v3, $0x7;
	v5 =	vand.u32 $0xFFFFF000, v5  }
0xf2: {  	v7 =	vor.u32 s29, v1;
	s29 =	smov.u32 s0;
	v4 =	vor.u32 v4, v5;
	v5 =	vand.u32 $0x380, v6  }
0xf3: {  	v3 =	vadd.s32 $0xFFFFFFB0, v3;
	v6 =	vand.u32 $0x7F, v7;
	v4 =	vor.u32 v5, v4  }
0xf4: {  	vm0 =	vlt.u32 v3, $0x50;
	v3 =	vor.u32 v6, v4  }
0xf5: {  	v3 =	vadd.s32 $0xFFFF6000, v3;
	_ =	sdelay $0x1  }
.Ltmp3:
0xf6: {  	(pc) =	sbr.rel @p0 .LBB2_8-.Ltmp3, $3  }
0xf7: {  	_ =	sdelay $0x1  }
0xf8: {  	s30 =	sadd.s32 $0x10, s30;
	[tilespmem:v3+s22+$0x0] =	vst.idx.msk vm0, v2  }
0xf9: {  	s0 =	sadd.s32 $0x10, s0;
	v3 =	vld [tilespmem:s30+$0x0]  }
0xfa: {  	_ =	sdelay $0x2  }
0xfb: {  	v4 =	vmov s29  }
0xfc: {  	v4 =	vshll.u32 v4, $0x3;
	v5 =	vshll.u32 v3, $0x9  }
0xfd: {  	v4 =	vand.u32 $0xC00, v4;
	v6 =	vshll.u32 v3, $0x7;
	v5 =	vand.u32 $0xFFFFF000, v5  }
0xfe: {  	v7 =	vor.u32 s29, v1;
	v62 =	vand.u32 $0x380, v6;
	v4 =	vor.u32 v4, v5  }
0xff: {  	v63 =	vand.u32 $0x7F, v7;
	v3 =	vadd.s32 $0xFFFFFFB0, v3;
	v4 =	vor.u32 v62, v4  }
0x100: {  	vm0 =	vlt.u32 v3, $0x50;
	v3 =	vor.u32 v63, v4  }
0x101: {  	v3 =	vadd.s32 $0xFFFF6000, v3;
	_ =	sdelay $0x2  }
0x102: {  	s29 =	simm.s32 $0x0  }
0x103: {  	s0 =	sand.u32 $0xF000, s29;
	s1 =	sand.u32 $0x380, s29  }
0x104: {  	s0 =	sor.u32 s1, s0;
	[tilespmem:v3+s22+$0x0] =	vst.idx.msk vm0, v2  }
0x105: {  	[hbm4b:s5+s20] =	stream.strided.scatter [tilespmem:s22], [sflag:$0x2], $0xA000, s21, s20, $0x38;
	[tilespmem:$0x1E200] =	vst v63  }
0x106: {  	s30 =	sadd.s32 $0x14200, s0;
	[tilespmem:s0+$0x14200] =	vst v0  }
0x107: {  	[tilespmem:s30+$0x40] =	vst v0  }
0x108: {  	[tilespmem:s30+$0x50] =	vst v0  }
0x109: {  	[tilespmem:s30+$0x60] =	vst v0  }
0x10a: {  	[tilespmem:s30+$0x70] =	vst v0  }
0x10b: {  	[tilespmem:s30+$0x400] =	vst v0  }
0x10c: {  	[tilespmem:s30+$0x410] =	vst v0  }
0x10d: {  	[tilespmem:s30+$0x420] =	vst v0  }
0x10e: {  	[tilespmem:s30+$0x430] =	vst v0  }
0x10f: {  	[tilespmem:s30+$0x440] =	vst v0  }
0x110: {  	[tilespmem:s30+$0x450] =	vst v0  }
0x111: {  	[tilespmem:s30+$0x460] =	vst v0  }
0x112: {  	[tilespmem:s30+$0x470] =	vst v0  }
0x113: {  	[tilespmem:s30+$0x800] =	vst v0  }
0x114: {  	[tilespmem:s30+$0x810] =	vst v0  }
0x115: {  	[tilespmem:s30+$0x820] =	vst v0  }
0x116: {  	[tilespmem:s30+$0x830] =	vst v0  }
0x117: {  	[tilespmem:s30+$0x840] =	vst v0  }
0x118: {  	[tilespmem:s30+$0x850] =	vst v0  }
0x119: {  	[tilespmem:s30+$0x860] =	vst v0  }
0x11a: {  	[tilespmem:s30+$0x870] =	vst v0  }
0x11b: {  	[tilespmem:s30+$0xC00] =	vst v0  }
0x11c: {  	[tilespmem:s30+$0xC10] =	vst v0  }
0x11d: {  	[tilespmem:s30+$0xC20] =	vst v0  }
0x11e: {  	[tilespmem:s30+$0xC30] =	vst v0  }
0x11f: {  	[tilespmem:s30+$0xC40] =	vst v0  }
0x120: {  	[tilespmem:s30+$0xC50] =	vst v0  }
0x121: {  	[tilespmem:s30+$0xC60] =	vst v0  }
0x122: {  	[tilespmem:s30+$0x10] =	vst v0  }
0x123: {  	s4 =	simm.s32 $0x200;
	s31 =	simm.s32 $0x80;
	[tilespmem:s30+$0x20] =	vst v0  }
0x124: {  	s1 =	sand.u32 $0xF000, s4;
	s4 =	sand.u32 $0x380, s31;
	s0 =	simm.s32 $0x400;
	[tilespmem:s30+$0x30] =	vst v0  }
.LBB2_10:
0x125: {  	p0 =	sne.s32 s0, $0x9E00;
	s1 =	sor.u32 s4, s1;
	[tilespmem:s30+$0xC70] =	vst v0  }
0x126: {  	s30 =	sadd.s32 $0x14200, s1;
	[tilespmem:s1+$0x14200] =	vst v0  }
0x127: {  	[tilespmem:s30+$0x10] =	vst v0  }
0x128: {  	[tilespmem:s30+$0x20] =	vst v0  }
0x129: {  	[tilespmem:s30+$0x30] =	vst v0  }
0x12a: {  	[tilespmem:s30+$0x40] =	vst v0  }
0x12b: {  	[tilespmem:s30+$0x50] =	vst v0  }
0x12c: {  	[tilespmem:s30+$0x60] =	vst v0  }
0x12d: {  	[tilespmem:s30+$0x70] =	vst v0  }
0x12e: {  	[tilespmem:s30+$0x400] =	vst v0  }
0x12f: {  	[tilespmem:s30+$0x410] =	vst v0  }
0x130: {  	[tilespmem:s30+$0x420] =	vst v0  }
0x131: {  	[tilespmem:s30+$0x430] =	vst v0  }
0x132: {  	[tilespmem:s30+$0x440] =	vst v0  }
0x133: {  	[tilespmem:s30+$0x450] =	vst v0  }
0x134: {  	[tilespmem:s30+$0x460] =	vst v0  }
0x135: {  	[tilespmem:s30+$0x470] =	vst v0  }
0x136: {  	[tilespmem:s30+$0x800] =	vst v0  }
0x137: {  	[tilespmem:s30+$0x810] =	vst v0  }
0x138: {  	[tilespmem:s30+$0x820] =	vst v0  }
0x139: {  	[tilespmem:s30+$0x830] =	vst v0  }
0x13a: {  	[tilespmem:s30+$0x840] =	vst v0  }
0x13b: {  	[tilespmem:s30+$0x850] =	vst v0  }
0x13c: {  	[tilespmem:s30+$0x860] =	vst v0  }
0x13d: {  	[tilespmem:s30+$0x870] =	vst v0  }
0x13e: {  	[tilespmem:s30+$0xC00] =	vst v0  }
0x13f: {  	[tilespmem:s30+$0xC10] =	vst v0  }
.Ltmp4:
0x140: {  	[tilespmem:s30+$0xC20] =	vst v0;
	(pc) =	sbr.rel @p0 .LBB2_10-.Ltmp4, $4  }
0x141: {  	[tilespmem:s30+$0xC30] =	vst v0  }
0x142: {  	[tilespmem:s30+$0xC40] =	vst v0  }
0x143: {  	s31 =	sadd.s32 $0x80, s31;
	[tilespmem:s30+$0xC50] =	vst v0  }
0x144: {  	s1 =	sand.u32 $0xF000, s0;
	s4 =	sand.u32 $0x380, s31;
	s0 =	sadd.s32 $0x200, s0;
	[tilespmem:s30+$0xC60] =	vst v0  }
0x145: {  	s0 =	sor.u32 s4, s1;
	[tilespmem:s30+$0xC70] =	vst v0  }
0x146: {  	s1 =	sadd.s32 $0x14200, s0;
	[tilespmem:s0+$0x14200] =	vst v0  }
0x147: {  	[tilespmem:s1+$0x10] =	vst v0  }
0x148: {  	[tilespmem:s1+$0x20] =	vst v0  }
0x149: {  	[tilespmem:s1+$0x30] =	vst v0  }
0x14a: {  	[tilespmem:s1+$0x40] =	vst v0  }
0x14b: {  	[tilespmem:s1+$0x50] =	vst v0  }
0x14c: {  	[tilespmem:s1+$0x60] =	vst v0  }
0x14d: {  	[tilespmem:s1+$0x70] =	vst v0  }
0x14e: {  	[tilespmem:s1+$0x400] =	vst v0  }
0x14f: {  	[tilespmem:s1+$0x410] =	vst v0  }
0x150: {  	[tilespmem:s1+$0x420] =	vst v0  }
0x151: {  	[tilespmem:s1+$0x430] =	vst v0  }
0x152: {  	[tilespmem:s1+$0x440] =	vst v0  }
0x153: {  	[tilespmem:s1+$0x450] =	vst v0  }
0x154: {  	[tilespmem:s1+$0x460] =	vst v0  }
0x155: {  	[tilespmem:s1+$0x470] =	vst v0  }
0x156: {  	[tilespmem:s1+$0x800] =	vst v0  }
0x157: {  	[tilespmem:s1+$0x810] =	vst v0  }
0x158: {  	[tilespmem:s1+$0x820] =	vst v0  }
0x159: {  	[tilespmem:s1+$0x830] =	vst v0  }
0x15a: {  	[tilespmem:s1+$0x840] =	vst v0  }
0x15b: {  	[tilespmem:s1+$0x850] =	vst v0  }
0x15c: {  	[tilespmem:s1+$0x860] =	vst v0  }
0x15d: {  	[tilespmem:s1+$0x870] =	vst v0  }
0x15e: {  	[tilespmem:s1+$0xC00] =	vst v0  }
0x15f: {  	[tilespmem:s1+$0xC10] =	vst v0  }
0x160: {  	[tilespmem:s1+$0xC20] =	vst v0  }
0x161: {  	[tilespmem:s1+$0xC30] =	vst v0  }
0x162: {  	[tilespmem:s1+$0xC40] =	vst v0  }
0x163: {  	[tilespmem:s1+$0xC50] =	vst v0  }
0x164: {  	[tilespmem:s1+$0xC60] =	vst v0  }
0x165: {  	[tilespmem:s1+$0xC70] =	vst v0  }
0x166: {  	s30 =	simm.s32 $0x0;
	s0 =	simm.s32 $0x10;
	v3 =	vld [tilespmem:s29+$0x0]  }
.LBB2_12:
0x167: {  	p0 =	sne.s32 s0, $0x1F0;
	_ =	sdelay $0x2  }
0x168: {  	v4 =	vmov s29  }
0x169: {  	v4 =	vshll.u32 v4, $0x3;
	v5 =	vshll.u32 v3, $0x9  }
0x16a: {  	v4 =	vand.u32 $0xC00, v4;
	v6 =	vshll.u32 v3, $0x7;
	v5 =	vand.u32 $0xFFFFF000, v5  }
0x16b: {  	v7 =	vor.u32 s29, v1;
	s29 =	smov.u32 s0;
	v4 =	vor.u32 v4, v5;
	v5 =	vand.u32 $0x380, v6  }
0x16c: {  	v3 =	vadd.s32 $0xFFFFFF60, v3;
	v6 =	vand.u32 $0x7F, v7;
	v4 =	vor.u32 v5, v4  }
0x16d: {  	vm0 =	vlt.u32 v3, $0x50;
	v3 =	vor.u32 v6, v4  }
0x16e: {  	v3 =	vadd.s32 $0xFFFEC000, v3;
	_ =	sdelay $0x1  }
.Ltmp5:
0x16f: {  	(pc) =	sbr.rel @p0 .LBB2_12-.Ltmp5, $3  }
0x170: {  	_ =	sdelay $0x1  }
0x171: {  	s30 =	sadd.s32 $0x10, s30;
	[tilespmem:v3+s23+$0x0] =	vst.idx.msk vm0, v2  }
0x172: {  	s0 =	sadd.s32 $0x10, s0;
	v3 =	vld [tilespmem:s30+$0x0]  }
0x173: {  	_ =	sdelay $0x2  }
0x174: {  	v4 =	vmov s29  }
0x175: {  	v4 =	vshll.u32 v4, $0x3;
	v5 =	vshll.u32 v3, $0x9  }
0x176: {  	v4 =	vand.u32 $0xC00, v4;
	v6 =	vshll.u32 v3, $0x7;
	v5 =	vand.u32 $0xFFFFF000, v5  }
0x177: {  	v7 =	vor.u32 s29, v1;
	v4 =	vor.u32 v4, v5;
	v5 =	vand.u32 $0x380, v6  }
0x178: {  	v63 =	vand.u32 $0x7F, v7;
	v3 =	vadd.s32 $0xFFFFFF60, v3;
	v4 =	vor.u32 v5, v4  }
0x179: {  	vm0 =	vlt.u32 v3, $0x50;
	v3 =	vor.u32 v63, v4  }
0x17a: {  	v3 =	vadd.s32 $0xFFFEC000, v3;
	_ =	sdelay $0x4  }
0x17b: {  	[tilespmem:v3+s23+$0x0] =	vst.idx.msk vm0, v2  }
0x17c: {  	[hbm4b:s6+s20] =	stream.strided.scatter [tilespmem:s23], [sflag:$0x3], $0xA000, s21, s20, $0x38;
	[tilespmem:$0x1E200] =	vst v63  }
0x17d: {  	_ =	swait.ge [sflag:s24], $0xA000  }
0x17e: {  	[sflag:s24] =	ssyncset.done $0x0  }
0x17f: {  	s29 =	simm.s32 $0x0;
	[sflag:s24] =	ssyncadd.s32 $0xFFFF6000  }
0x180: {  	s0 =	simm.s32 $0x10;
	s30 =	simm.s32 $0x0;
	s31 =	simm.s32 $0x0;
	v3 =	vld [tilespmem:s29+$0x0]  }
.LBB2_14:
0x181: {  	p0 =	sne.s32 s0, $0x1F0;
	_ =	sdelay $0x1  }
0x182: {  	v4 =	vmov s30  }
0x183: {  	v5 =	vor.u32 s30, v1;
	s30 =	smov.u32 s0;
	v4 =	vshll.u32 v4, $0x3  }
0x184: {  	v5 =	vand.u32 $0x7F, v5;
	v4 =	vand.u32 $0xC00, v4;
	v6 =	vshll.u32 v3, $0x9  }
0x185: {  	v4 =	vor.u32 v4, v5;
	v7 =	vshll.u32 v3, $0x7;
	v6 =	vand.u32 $0xFFFFF000, v6  }
0x186: {  	vm0 =	vlt.u32 v3, $0x50;
	v3 =	vand.u32 $0x380, v7;
	v4 =	vor.u32 v6, v4  }
0x187: {  	v3 =	vor.u32 v3, v4;
	_ =	sdelay $0x1  }
.Ltmp6:
0x188: {  	(pc) =	sbr.rel @p0 .LBB2_14-.Ltmp6, $3  }
0x189: {  	_ =	sdelay $0x1  }
0x18a: {  	s31 =	sadd.s32 $0x10, s31;
	[tilespmem:v3+s19+$0x0] =	vst.idx.msk vm0, v0  }
0x18b: {  	s0 =	sadd.s32 $0x10, s0;
	v3 =	vld [tilespmem:s31+$0x0]  }
0x18c: {  	_ =	sdelay $0x1  }
0x18d: {  	v4 =	vmov s30  }
0x18e: {  	v5 =	vor.u32 s30, v1;
	v4 =	vshll.u32 v4, $0x3  }
0x18f: {  	v5 =	vand.u32 $0x7F, v5;
	v4 =	vand.u32 $0xC00, v4;
	v6 =	vshll.u32 v3, $0x9  }
0x190: {  	v4 =	vor.u32 v4, v5;
	v7 =	vshll.u32 v3, $0x7;
	v6 =	vand.u32 $0xFFFFF000, v6  }
0x191: {  	vm0 =	vlt.u32 v3, $0x50;
	v3 =	vand.u32 $0x380, v7;
	v4 =	vor.u32 v6, v4  }
0x192: {  	v3 =	vor.u32 v3, v4;
	_ =	sdelay $0x4  }
0x193: {  	[tilespmem:v3+s19+$0x0] =	vst.idx.msk vm0, v0  }
0x194: {  	s0 =	simm.s32 $0x10;
	s30 =	simm.s32 $0x0;
	v3 =	vld [tilespmem:s29+$0x0]  }
.LBB2_16:
0x195: {  	p0 =	sne.s32 s0, $0x1F0;
	_ =	sdelay $0x2  }
0x196: {  	v4 =	vmov s29  }
0x197: {  	v4 =	vshll.u32 v4, $0x3;
	v5 =	vshll.u32 v3, $0x9  }
0x198: {  	v4 =	vand.u32 $0xC00, v4;
	v6 =	vshll.u32 v3, $0x7;
	v5 =	vand.u32 $0xFFFFF000, v5  }
0x199: {  	v7 =	vor.u32 s29, v1;
	s29 =	smov.u32 s0;
	v4 =	vor.u32 v4, v5;
	v5 =	vand.u32 $0x380, v6  }
0x19a: {  	v3 =	vadd.s32 $0xFFFFFF10, v3;
	v6 =	vand.u32 $0x7F, v7;
	v4 =	vor.u32 v5, v4  }
0x19b: {  	vm0 =	vlt.u32 v3, $0x50;
	v3 =	vor.u32 v6, v4  }
0x19c: {  	v3 =	vadd.s32 $0xFFFE2000, v3;
	_ =	sdelay $0x1  }
.Ltmp7:
0x19d: {  	(pc) =	sbr.rel @p0 .LBB2_16-.Ltmp7, $3  }
0x19e: {  	_ =	sdelay $0x1  }
0x19f: {  	s30 =	sadd.s32 $0x10, s30;
	[tilespmem:v3+s19+$0x0] =	vst.idx.msk vm0, v2  }
0x1a0: {  	s0 =	sadd.s32 $0x10, s0;
	v3 =	vld [tilespmem:s30+$0x0]  }
0x1a1: {  	_ =	sdelay $0x2  }
0x1a2: {  	v4 =	vmov s29  }
0x1a3: {  	v4 =	vshll.u32 v4, $0x3;
	v5 =	vshll.u32 v3, $0x9  }
0x1a4: {  	v4 =	vand.u32 $0xC00, v4;
	v6 =	vshll.u32 v3, $0x7;
	v5 =	vand.u32 $0xFFFFF000, v5  }
0x1a5: {  	v7 =	vor.u32 s29, v1;
	v4 =	vor.u32 v4, v5;
	v5 =	vand.u32 $0x380, v6  }
0x1a6: {  	v63 =	vand.u32 $0x7F, v7;
	v3 =	vadd.s32 $0xFFFFFF10, v3;
	v4 =	vor.u32 v5, v4  }
0x1a7: {  	vm0 =	vlt.u32 v3, $0x50;
	v3 =	vor.u32 v63, v4  }
0x1a8: {  	v3 =	vadd.s32 $0xFFFE2000, v3;
	_ =	sdelay $0x4  }
0x1a9: {  	[tilespmem:v3+s19+$0x0] =	vst.idx.msk vm0, v2  }
0x1aa: {  	[hbm4b:s7+s20] =	stream.strided.scatter [tilespmem:s19], [sflag:$0x1], $0xA000, s21, s20, $0x38;
	[tilespmem:$0x1E200] =	vst v63  }
0x1ab: {  	_ =	swait.ge [sflag:s25], $0xA000  }
0x1ac: {  	[sflag:s25] =	ssyncset.done $0x0  }
0x1ad: {  	s29 =	simm.s32 $0x0;
	[sflag:s25] =	ssyncadd.s32 $0xFFFF6000  }
0x1ae: {  	s30 =	simm.s32 $0x10;
	s0 =	simm.s32 $0x0;
	s31 =	simm.s32 $0x0;
	v3 =	vld [tilespmem:s29+$0x0]  }
.LBB2_18:
0x1af: {  	p0 =	sne.s32 s30, $0x1F0;
	_ =	sdelay $0x2  }
0x1b0: {  	v4 =	vmov s0  }
0x1b1: {  	v4 =	vshll.u32 v4, $0x3;
	v5 =	vshll.u32 v3, $0x9  }
0x1b2: {  	v4 =	vand.u32 $0xC00, v4;
	v6 =	vshll.u32 v3, $0x7;
	v5 =	vand.u32 $0xFFFFF000, v5  }
0x1b3: {  	v7 =	vor.u32 s0, v1;
	s0 =	smov.u32 s30;
	v4 =	vor.u32 v4, v5;
	v5 =	vand.u32 $0x380, v6  }
0x1b4: {  	v3 =	vadd.s32 $0xFFFFFFB0, v3;
	v6 =	vand.u32 $0x7F, v7;
	v4 =	vor.u32 v5, v4  }
0x1b5: {  	vm0 =	vlt.u32 v3, $0x50;
	v3 =	vor.u32 v6, v4  }
0x1b6: {  	v3 =	vadd.s32 $0xFFFF6000, v3;
	_ =	sdelay $0x1  }
.Ltmp8:
0x1b7: {  	(pc) =	sbr.rel @p0 .LBB2_18-.Ltmp8, $3  }
0x1b8: {  	_ =	sdelay $0x1  }
0x1b9: {  	s31 =	sadd.s32 $0x10, s31;
	[tilespmem:v3+s22+$0x0] =	vst.idx.msk vm0, v0  }
0x1ba: {  	s30 =	sadd.s32 $0x10, s30;
	v3 =	vld [tilespmem:s31+$0x0]  }
0x1bb: {  	_ =	sdelay $0x2  }
0x1bc: {  	v4 =	vmov s0  }
0x1bd: {  	v4 =	vshll.u32 v4, $0x3;
	v5 =	vshll.u32 v3, $0x9  }
0x1be: {  	v4 =	vand.u32 $0xC00, v4;
	v6 =	vshll.u32 v3, $0x7;
	v5 =	vand.u32 $0xFFFFF000, v5  }
0x1bf: {  	v7 =	vor.u32 s0, v1;
	v4 =	vor.u32 v4, v5;
	v5 =	vand.u32 $0x380, v6  }
0x1c0: {  	v63 =	vand.u32 $0x7F, v7;
	v3 =	vadd.s32 $0xFFFFFFB0, v3;
	v4 =	vor.u32 v5, v4  }
0x1c1: {  	vm0 =	vlt.u32 v3, $0x50;
	v3 =	vor.u32 v63, v4  }
0x1c2: {  	v3 =	vadd.s32 $0xFFFF6000, v3;
	_ =	sdelay $0x4  }
0x1c3: {  	[tilespmem:v3+s22+$0x0] =	vst.idx.msk vm0, v0  }
0x1c4: {  	s0 =	simm.s32 $0x10;
	s30 =	simm.s32 $0x0;
	v3 =	vld [tilespmem:s29+$0x0]  }
.LBB2_20:
0x1c5: {  	p0 =	sne.s32 s0, $0x1F0;
	_ =	sdelay $0x2  }
0x1c6: {  	v4 =	vmov s29  }
0x1c7: {  	v4 =	vshll.u32 v4, $0x3;
	v5 =	vshll.u32 v3, $0x9  }
0x1c8: {  	v4 =	vand.u32 $0xC00, v4;
	v6 =	vshll.u32 v3, $0x7;
	v5 =	vand.u32 $0xFFFFF000, v5  }
0x1c9: {  	v7 =	vor.u32 s29, v1;
	s29 =	smov.u32 s0;
	v4 =	vor.u32 v4, v5;
	v5 =	vand.u32 $0x380, v6  }
0x1ca: {  	v3 =	vadd.s32 $0xFFFFFEC0, v3;
	v6 =	vand.u32 $0x7F, v7;
	v4 =	vor.u32 v5, v4  }
0x1cb: {  	vm0 =	vlt.u32 v3, $0x50;
	v3 =	vor.u32 v6, v4  }
0x1cc: {  	v3 =	vadd.s32 $0xFFFD8000, v3;
	_ =	sdelay $0x1  }
.Ltmp9:
0x1cd: {  	(pc) =	sbr.rel @p0 .LBB2_20-.Ltmp9, $3  }
0x1ce: {  	_ =	sdelay $0x1  }
0x1cf: {  	s30 =	sadd.s32 $0x10, s30;
	[tilespmem:v3+s22+$0x0] =	vst.idx.msk vm0, v2  }
0x1d0: {  	s0 =	sadd.s32 $0x10, s0;
	v3 =	vld [tilespmem:s30+$0x0]  }
0x1d1: {  	_ =	sdelay $0x2  }
0x1d2: {  	v4 =	vmov s29  }
0x1d3: {  	v4 =	vshll.u32 v4, $0x3;
	v5 =	vshll.u32 v3, $0x9  }
0x1d4: {  	v4 =	vand.u32 $0xC00, v4;
	v6 =	vshll.u32 v3, $0x7;
	v5 =	vand.u32 $0xFFFFF000, v5  }
0x1d5: {  	v7 =	vor.u32 s29, v1;
	v4 =	vor.u32 v4, v5;
	v5 =	vand.u32 $0x380, v6  }
0x1d6: {  	v63 =	vand.u32 $0x7F, v7;
	v3 =	vadd.s32 $0xFFFFFEC0, v3;
	v4 =	vor.u32 v5, v4  }
0x1d7: {  	vm0 =	vlt.u32 v3, $0x50;
	v3 =	vor.u32 v63, v4  }
0x1d8: {  	v3 =	vadd.s32 $0xFFFD8000, v3;
	_ =	sdelay $0x4  }
0x1d9: {  	[tilespmem:v3+s22+$0x0] =	vst.idx.msk vm0, v2  }
0x1da: {  	[hbm4b:s8+s20] =	stream.strided.scatter [tilespmem:s22], [sflag:$0x2], $0xA000, s21, s20, $0x38;
	[tilespmem:$0x1E200] =	vst v63  }
0x1db: {  	_ =	swait.ge [sflag:s26], $0xA000  }
0x1dc: {  	[sflag:s26] =	ssyncset.done $0x0  }
0x1dd: {  	s29 =	simm.s32 $0x0;
	[sflag:s26] =	ssyncadd.s32 $0xFFFF6000  }
0x1de: {  	s30 =	simm.s32 $0x10;
	s0 =	simm.s32 $0x0;
	s31 =	simm.s32 $0x0;
	v3 =	vld [tilespmem:s29+$0x0]  }
.LBB2_22:
0x1df: {  	p0 =	sne.s32 s30, $0x1F0;
	_ =	sdelay $0x2  }
0x1e0: {  	v4 =	vmov s0  }
0x1e1: {  	v4 =	vshll.u32 v4, $0x3;
	v5 =	vshll.u32 v3, $0x9  }
0x1e2: {  	v4 =	vand.u32 $0xC00, v4;
	v6 =	vshll.u32 v3, $0x7;
	v5 =	vand.u32 $0xFFFFF000, v5  }
0x1e3: {  	v7 =	vor.u32 s0, v1;
	s0 =	smov.u32 s30;
	v4 =	vor.u32 v4, v5;
	v5 =	vand.u32 $0x380, v6  }
0x1e4: {  	v3 =	vadd.s32 $0xFFFFFF60, v3;
	v6 =	vand.u32 $0x7F, v7;
	v4 =	vor.u32 v5, v4  }
0x1e5: {  	vm0 =	vlt.u32 v3, $0x50;
	v3 =	vor.u32 v6, v4  }
0x1e6: {  	v3 =	vadd.s32 $0xFFFEC000, v3;
	_ =	sdelay $0x1  }
.Ltmp10:
0x1e7: {  	(pc) =	sbr.rel @p0 .LBB2_22-.Ltmp10, $3  }
0x1e8: {  	_ =	sdelay $0x1  }
0x1e9: {  	s31 =	sadd.s32 $0x10, s31;
	[tilespmem:v3+s23+$0x0] =	vst.idx.msk vm0, v0  }
0x1ea: {  	s30 =	sadd.s32 $0x10, s30;
	v3 =	vld [tilespmem:s31+$0x0]  }
0x1eb: {  	_ =	sdelay $0x2  }
0x1ec: {  	v4 =	vmov s0  }
0x1ed: {  	v4 =	vshll.u32 v4, $0x3;
	v5 =	vshll.u32 v3, $0x9  }
0x1ee: {  	v4 =	vand.u32 $0xC00, v4;
	v6 =	vshll.u32 v3, $0x7;
	v5 =	vand.u32 $0xFFFFF000, v5  }
0x1ef: {  	v7 =	vor.u32 s0, v1;
	v4 =	vor.u32 v4, v5;
	v5 =	vand.u32 $0x380, v6  }
0x1f0: {  	v63 =	vand.u32 $0x7F, v7;
	v3 =	vadd.s32 $0xFFFFFF60, v3;
	v4 =	vor.u32 v5, v4  }
0x1f1: {  	vm0 =	vlt.u32 v3, $0x50;
	v3 =	vor.u32 v63, v4  }
0x1f2: {  	v3 =	vadd.s32 $0xFFFEC000, v3;
	_ =	sdelay $0x4  }
0x1f3: {  	[tilespmem:v3+s23+$0x0] =	vst.idx.msk vm0, v0  }
0x1f4: {  	s0 =	simm.s32 $0x10;
	s30 =	simm.s32 $0x0;
	v3 =	vld [tilespmem:s29+$0x0]  }
.LBB2_24:
0x1f5: {  	p0 =	sne.s32 s0, $0x1F0;
	_ =	sdelay $0x2  }
0x1f6: {  	v4 =	vmov s29  }
0x1f7: {  	v4 =	vshll.u32 v4, $0x3;
	v5 =	vshll.u32 v3, $0x9  }
0x1f8: {  	v4 =	vand.u32 $0xC00, v4;
	v6 =	vshll.u32 v3, $0x7;
	v5 =	vand.u32 $0xFFFFF000, v5  }
0x1f9: {  	v7 =	vor.u32 s29, v1;
	s29 =	smov.u32 s0;
	v4 =	vor.u32 v4, v5;
	v5 =	vand.u32 $0x380, v6  }
0x1fa: {  	v3 =	vadd.s32 $0xFFFFFE70, v3;
	v6 =	vand.u32 $0x7F, v7;
	v4 =	vor.u32 v5, v4  }
0x1fb: {  	vm0 =	vlt.u32 v3, $0x50;
	v3 =	vor.u32 v6, v4  }
0x1fc: {  	v3 =	vadd.s32 $0xFFFCE000, v3;
	_ =	sdelay $0x1  }
.Ltmp11:
0x1fd: {  	(pc) =	sbr.rel @p0 .LBB2_24-.Ltmp11, $3  }
0x1fe: {  	_ =	sdelay $0x1  }
0x1ff: {  	s30 =	sadd.s32 $0x10, s30;
	[tilespmem:v3+s23+$0x0] =	vst.idx.msk vm0, v2  }
0x200: {  	s0 =	sadd.s32 $0x10, s0;
	v3 =	vld [tilespmem:s30+$0x0]  }
0x201: {  	_ =	sdelay $0x2  }
0x202: {  	v4 =	vmov s29  }
0x203: {  	v4 =	vshll.u32 v4, $0x3;
	v5 =	vshll.u32 v3, $0x9  }
0x204: {  	v4 =	vand.u32 $0xC00, v4;
	v6 =	vshll.u32 v3, $0x7;
	v5 =	vand.u32 $0xFFFFF000, v5  }
0x205: {  	v7 =	vor.u32 s29, v1;
	v4 =	vor.u32 v4, v5;
	v5 =	vand.u32 $0x380, v6  }
0x206: {  	v63 =	vand.u32 $0x7F, v7;
	v3 =	vadd.s32 $0xFFFFFE70, v3;
	v4 =	vor.u32 v5, v4  }
0x207: {  	vm0 =	vlt.u32 v3, $0x50;
	v3 =	vor.u32 v63, v4  }
0x208: {  	v3 =	vadd.s32 $0xFFFCE000, v3;
	_ =	sdelay $0x4  }
0x209: {  	[tilespmem:v3+s23+$0x0] =	vst.idx.msk vm0, v2  }
0x20a: {  	[hbm4b:s9+s20] =	stream.strided.scatter [tilespmem:s23], [sflag:$0x3], $0xA000, s21, s20, $0x38;
	[tilespmem:$0x1E200] =	vst v63  }
0x20b: {  	_ =	swait.ge [sflag:s24], $0xA000  }
0x20c: {  	[sflag:s24] =	ssyncset.done $0x0  }
0x20d: {  	s29 =	simm.s32 $0x0;
	[sflag:s24] =	ssyncadd.s32 $0xFFFF6000  }
0x20e: {  	s30 =	simm.s32 $0x10;
	s0 =	simm.s32 $0x0;
	s31 =	simm.s32 $0x0;
	v3 =	vld [tilespmem:s29+$0x0]  }
.LBB2_26:
0x20f: {  	p0 =	sne.s32 s30, $0x1F0;
	_ =	sdelay $0x2  }
0x210: {  	v4 =	vmov s0  }
0x211: {  	v4 =	vshll.u32 v4, $0x3;
	v5 =	vshll.u32 v3, $0x9  }
0x212: {  	v4 =	vand.u32 $0xC00, v4;
	v6 =	vshll.u32 v3, $0x7;
	v5 =	vand.u32 $0xFFFFF000, v5  }
0x213: {  	v7 =	vor.u32 s0, v1;
	s0 =	smov.u32 s30;
	v4 =	vor.u32 v4, v5;
	v5 =	vand.u32 $0x380, v6  }
0x214: {  	v3 =	vadd.s32 $0xFFFFFF10, v3;
	v6 =	vand.u32 $0x7F, v7;
	v4 =	vor.u32 v5, v4  }
0x215: {  	vm0 =	vlt.u32 v3, $0x50;
	v3 =	vor.u32 v6, v4  }
0x216: {  	v3 =	vadd.s32 $0xFFFE2000, v3;
	_ =	sdelay $0x1  }
.Ltmp12:
0x217: {  	(pc) =	sbr.rel @p0 .LBB2_26-.Ltmp12, $3  }
0x218: {  	_ =	sdelay $0x1  }
0x219: {  	s31 =	sadd.s32 $0x10, s31;
	[tilespmem:v3+s19+$0x0] =	vst.idx.msk vm0, v0  }
0x21a: {  	s30 =	sadd.s32 $0x10, s30;
	v3 =	vld [tilespmem:s31+$0x0]  }
0x21b: {  	_ =	sdelay $0x2  }
0x21c: {  	v4 =	vmov s0  }
0x21d: {  	v4 =	vshll.u32 v4, $0x3;
	v5 =	vshll.u32 v3, $0x9  }
0x21e: {  	v4 =	vand.u32 $0xC00, v4;
	v6 =	vshll.u32 v3, $0x7;
	v5 =	vand.u32 $0xFFFFF000, v5  }
0x21f: {  	v7 =	vor.u32 s0, v1;
	v4 =	vor.u32 v4, v5;
	v5 =	vand.u32 $0x380, v6  }
0x220: {  	v63 =	vand.u32 $0x7F, v7;
	v3 =	vadd.s32 $0xFFFFFF10, v3;
	v4 =	vor.u32 v5, v4  }
0x221: {  	vm0 =	vlt.u32 v3, $0x50;
	v3 =	vor.u32 v63, v4  }
0x222: {  	v3 =	vadd.s32 $0xFFFE2000, v3;
	_ =	sdelay $0x4  }
0x223: {  	[tilespmem:v3+s19+$0x0] =	vst.idx.msk vm0, v0  }
0x224: {  	s0 =	simm.s32 $0x10;
	s30 =	simm.s32 $0x0;
	v3 =	vld [tilespmem:s29+$0x0]  }
.LBB2_28:
0x225: {  	p0 =	sne.s32 s0, $0x1F0;
	_ =	sdelay $0x2  }
0x226: {  	v4 =	vmov s29  }
0x227: {  	v4 =	vshll.u32 v4, $0x3;
	v5 =	vshll.u32 v3, $0x9  }
0x228: {  	v4 =	vand.u32 $0xC00, v4;
	v6 =	vshll.u32 v3, $0x7;
	v5 =	vand.u32 $0xFFFFF000, v5  }
0x229: {  	v7 =	vor.u32 s29, v1;
	s29 =	smov.u32 s0;
	v4 =	vor.u32 v4, v5;
	v5 =	vand.u32 $0x380, v6  }
0x22a: {  	v3 =	vadd.s32 $0xFFFFFE20, v3;
	v6 =	vand.u32 $0x7F, v7;
	v4 =	vor.u32 v5, v4  }
0x22b: {  	vm0 =	vlt.u32 v3, $0x50;
	v3 =	vor.u32 v6, v4  }
0x22c: {  	v3 =	vadd.s32 $0xFFFC4000, v3;
	_ =	sdelay $0x1  }
.Ltmp13:
0x22d: {  	(pc) =	sbr.rel @p0 .LBB2_28-.Ltmp13, $3  }
0x22e: {  	_ =	sdelay $0x1  }
0x22f: {  	s30 =	sadd.s32 $0x10, s30;
	[tilespmem:v3+s19+$0x0] =	vst.idx.msk vm0, v2  }
0x230: {  	s0 =	sadd.s32 $0x10, s0;
	v3 =	vld [tilespmem:s30+$0x0]  }
0x231: {  	_ =	sdelay $0x2  }
0x232: {  	v4 =	vmov s29  }
0x233: {  	v4 =	vshll.u32 v4, $0x3;
	v5 =	vshll.u32 v3, $0x9  }
0x234: {  	v4 =	vand.u32 $0xC00, v4;
	v6 =	vshll.u32 v3, $0x7;
	v5 =	vand.u32 $0xFFFFF000, v5  }
0x235: {  	v7 =	vor.u32 s29, v1;
	v4 =	vor.u32 v4, v5;
	v5 =	vand.u32 $0x380, v6  }
0x236: {  	v63 =	vand.u32 $0x7F, v7;
	v3 =	vadd.s32 $0xFFFFFE20, v3;
	v4 =	vor.u32 v5, v4  }
0x237: {  	vm0 =	vlt.u32 v3, $0x50;
	v3 =	vor.u32 v63, v4  }
0x238: {  	v3 =	vadd.s32 $0xFFFC4000, v3;
	_ =	sdelay $0x4  }
0x239: {  	[tilespmem:v3+s19+$0x0] =	vst.idx.msk vm0, v2  }
0x23a: {  	[hbm4b:s10+s20] =	stream.strided.scatter [tilespmem:s19], [sflag:$0x1], $0xA000, s21, s20, $0x38;
	[tilespmem:$0x1E200] =	vst v63  }
0x23b: {  	_ =	swait.ge [sflag:s25], $0xA000  }
0x23c: {  	[sflag:s25] =	ssyncset.done $0x0  }
0x23d: {  	s29 =	simm.s32 $0x0;
	[sflag:s25] =	ssyncadd.s32 $0xFFFF6000  }
0x23e: {  	s30 =	simm.s32 $0x10;
	s0 =	simm.s32 $0x0;
	s31 =	simm.s32 $0x0;
	v3 =	vld [tilespmem:s29+$0x0]  }
.LBB2_30:
0x23f: {  	p0 =	sne.s32 s30, $0x1F0;
	_ =	sdelay $0x2  }
0x240: {  	v4 =	vmov s0  }
0x241: {  	v4 =	vshll.u32 v4, $0x3;
	v5 =	vshll.u32 v3, $0x9  }
0x242: {  	v4 =	vand.u32 $0xC00, v4;
	v6 =	vshll.u32 v3, $0x7;
	v5 =	vand.u32 $0xFFFFF000, v5  }
0x243: {  	v7 =	vor.u32 s0, v1;
	s0 =	smov.u32 s30;
	v4 =	vor.u32 v4, v5;
	v5 =	vand.u32 $0x380, v6  }
0x244: {  	v3 =	vadd.s32 $0xFFFFFEC0, v3;
	v6 =	vand.u32 $0x7F, v7;
	v4 =	vor.u32 v5, v4  }
0x245: {  	vm0 =	vlt.u32 v3, $0x50;
	v3 =	vor.u32 v6, v4  }
0x246: {  	v3 =	vadd.s32 $0xFFFD8000, v3;
	_ =	sdelay $0x1  }
.Ltmp14:
0x247: {  	(pc) =	sbr.rel @p0 .LBB2_30-.Ltmp14, $3  }
0x248: {  	_ =	sdelay $0x1  }
0x249: {  	s31 =	sadd.s32 $0x10, s31;
	[tilespmem:v3+s22+$0x0] =	vst.idx.msk vm0, v0  }
0x24a: {  	s30 =	sadd.s32 $0x10, s30;
	v3 =	vld [tilespmem:s31+$0x0]  }
0x24b: {  	_ =	sdelay $0x2  }
0x24c: {  	v4 =	vmov s0  }
0x24d: {  	v4 =	vshll.u32 v4, $0x3;
	v5 =	vshll.u32 v3, $0x9  }
0x24e: {  	v4 =	vand.u32 $0xC00, v4;
	v6 =	vshll.u32 v3, $0x7;
	v5 =	vand.u32 $0xFFFFF000, v5  }
0x24f: {  	v7 =	vor.u32 s0, v1;
	v4 =	vor.u32 v4, v5;
	v5 =	vand.u32 $0x380, v6  }
0x250: {  	v63 =	vand.u32 $0x7F, v7;
	v3 =	vadd.s32 $0xFFFFFEC0, v3;
	v4 =	vor.u32 v5, v4  }
0x251: {  	vm0 =	vlt.u32 v3, $0x50;
	v3 =	vor.u32 v63, v4  }
0x252: {  	v3 =	vadd.s32 $0xFFFD8000, v3;
	_ =	sdelay $0x4  }
0x253: {  	[tilespmem:v3+s22+$0x0] =	vst.idx.msk vm0, v0  }
0x254: {  	s0 =	simm.s32 $0x10;
	s30 =	simm.s32 $0x0;
	v3 =	vld [tilespmem:s29+$0x0]  }
.LBB2_32:
0x255: {  	p0 =	sne.s32 s0, $0x1F0;
	_ =	sdelay $0x2  }
0x256: {  	v4 =	vmov s29  }
0x257: {  	v4 =	vshll.u32 v4, $0x3;
	v5 =	vshll.u32 v3, $0x9  }
0x258: {  	v4 =	vand.u32 $0xC00, v4;
	v6 =	vshll.u32 v3, $0x7;
	v5 =	vand.u32 $0xFFFFF000, v5  }
0x259: {  	v7 =	vor.u32 s29, v1;
	s29 =	smov.u32 s0;
	v4 =	vor.u32 v4, v5;
	v5 =	vand.u32 $0x380, v6  }
0x25a: {  	v3 =	vadd.s32 $0xFFFFFDD0, v3;
	v6 =	vand.u32 $0x7F, v7;
	v4 =	vor.u32 v5, v4  }
0x25b: {  	vm0 =	vlt.u32 v3, $0x50;
	v3 =	vor.u32 v6, v4  }
0x25c: {  	v3 =	vadd.s32 $0xFFFBA000, v3;
	_ =	sdelay $0x1  }
.Ltmp15:
0x25d: {  	(pc) =	sbr.rel @p0 .LBB2_32-.Ltmp15, $3  }
0x25e: {  	_ =	sdelay $0x1  }
0x25f: {  	s30 =	sadd.s32 $0x10, s30;
	[tilespmem:v3+s22+$0x0] =	vst.idx.msk vm0, v2  }
0x260: {  	s0 =	sadd.s32 $0x10, s0;
	v3 =	vld [tilespmem:s30+$0x0]  }
0x261: {  	_ =	sdelay $0x2  }
0x262: {  	v4 =	vmov s29  }
0x263: {  	v4 =	vshll.u32 v4, $0x3;
	v5 =	vshll.u32 v3, $0x9  }
0x264: {  	v4 =	vand.u32 $0xC00, v4;
	v6 =	vshll.u32 v3, $0x7;
	v5 =	vand.u32 $0xFFFFF000, v5  }
0x265: {  	v7 =	vor.u32 s29, v1;
	v4 =	vor.u32 v4, v5;
	v5 =	vand.u32 $0x380, v6  }
0x266: {  	v63 =	vand.u32 $0x7F, v7;
	v3 =	vadd.s32 $0xFFFFFDD0, v3;
	v4 =	vor.u32 v5, v4  }
0x267: {  	vm0 =	vlt.u32 v3, $0x50;
	v3 =	vor.u32 v63, v4  }
0x268: {  	v3 =	vadd.s32 $0xFFFBA000, v3;
	_ =	sdelay $0x4  }
0x269: {  	[tilespmem:v3+s22+$0x0] =	vst.idx.msk vm0, v2  }
0x26a: {  	[hbm4b:s11+s20] =	stream.strided.scatter [tilespmem:s22], [sflag:$0x2], $0xA000, s21, s20, $0x38;
	[tilespmem:$0x1E200] =	vst v63  }
0x26b: {  	_ =	swait.ge [sflag:s26], $0xA000  }
0x26c: {  	[sflag:s26] =	ssyncset.done $0x0  }
0x26d: {  	s29 =	simm.s32 $0x0;
	[sflag:s26] =	ssyncadd.s32 $0xFFFF6000  }
0x26e: {  	s30 =	simm.s32 $0x10;
	s0 =	simm.s32 $0x0;
	s31 =	simm.s32 $0x0;
	v3 =	vld [tilespmem:s29+$0x0]  }
.LBB2_34:
0x26f: {  	p0 =	sne.s32 s30, $0x1F0;
	_ =	sdelay $0x2  }
0x270: {  	v4 =	vmov s0  }
0x271: {  	v4 =	vshll.u32 v4, $0x3;
	v5 =	vshll.u32 v3, $0x9  }
0x272: {  	v4 =	vand.u32 $0xC00, v4;
	v6 =	vshll.u32 v3, $0x7;
	v5 =	vand.u32 $0xFFFFF000, v5  }
0x273: {  	v7 =	vor.u32 s0, v1;
	s0 =	smov.u32 s30;
	v4 =	vor.u32 v4, v5;
	v5 =	vand.u32 $0x380, v6  }
0x274: {  	v3 =	vadd.s32 $0xFFFFFE70, v3;
	v6 =	vand.u32 $0x7F, v7;
	v4 =	vor.u32 v5, v4  }
0x275: {  	vm0 =	vlt.u32 v3, $0x50;
	v3 =	vor.u32 v6, v4  }
0x276: {  	v3 =	vadd.s32 $0xFFFCE000, v3;
	_ =	sdelay $0x1  }
.Ltmp16:
0x277: {  	(pc) =	sbr.rel @p0 .LBB2_34-.Ltmp16, $3  }
0x278: {  	_ =	sdelay $0x1  }
0x279: {  	s31 =	sadd.s32 $0x10, s31;
	[tilespmem:v3+s23+$0x0] =	vst.idx.msk vm0, v0  }
0x27a: {  	s30 =	sadd.s32 $0x10, s30;
	v3 =	vld [tilespmem:s31+$0x0]  }
0x27b: {  	_ =	sdelay $0x2  }
0x27c: {  	v4 =	vmov s0  }
0x27d: {  	v4 =	vshll.u32 v4, $0x3;
	v5 =	vshll.u32 v3, $0x9  }
0x27e: {  	v4 =	vand.u32 $0xC00, v4;
	v6 =	vshll.u32 v3, $0x7;
	v5 =	vand.u32 $0xFFFFF000, v5  }
0x27f: {  	v7 =	vor.u32 s0, v1;
	v4 =	vor.u32 v4, v5;
	v5 =	vand.u32 $0x380, v6  }
0x280: {  	v63 =	vand.u32 $0x7F, v7;
	v3 =	vadd.s32 $0xFFFFFE70, v3;
	v4 =	vor.u32 v5, v4  }
0x281: {  	vm0 =	vlt.u32 v3, $0x50;
	v3 =	vor.u32 v63, v4  }
0x282: {  	v3 =	vadd.s32 $0xFFFCE000, v3;
	_ =	sdelay $0x4  }
0x283: {  	[tilespmem:v3+s23+$0x0] =	vst.idx.msk vm0, v0  }
0x284: {  	s0 =	simm.s32 $0x10;
	s30 =	simm.s32 $0x0;
	v3 =	vld [tilespmem:s29+$0x0]  }
.LBB2_36:
0x285: {  	p0 =	sne.s32 s0, $0x1F0;
	_ =	sdelay $0x2  }
0x286: {  	v4 =	vmov s29  }
0x287: {  	v4 =	vshll.u32 v4, $0x3;
	v5 =	vshll.u32 v3, $0x9  }
0x288: {  	v4 =	vand.u32 $0xC00, v4;
	v6 =	vshll.u32 v3, $0x7;
	v5 =	vand.u32 $0xFFFFF000, v5  }
0x289: {  	v7 =	vor.u32 s29, v1;
	s29 =	smov.u32 s0;
	v4 =	vor.u32 v4, v5;
	v5 =	vand.u32 $0x380, v6  }
0x28a: {  	v3 =	vadd.s32 $0xFFFFFD80, v3;
	v6 =	vand.u32 $0x7F, v7;
	v4 =	vor.u32 v5, v4  }
0x28b: {  	vm0 =	vlt.u32 v3, $0x50;
	v3 =	vor.u32 v6, v4  }
0x28c: {  	v3 =	vadd.s32 $0xFFFB0000, v3;
	_ =	sdelay $0x1  }
.Ltmp17:
0x28d: {  	(pc) =	sbr.rel @p0 .LBB2_36-.Ltmp17, $3  }
0x28e: {  	_ =	sdelay $0x1  }
0x28f: {  	s30 =	sadd.s32 $0x10, s30;
	[tilespmem:v3+s23+$0x0] =	vst.idx.msk vm0, v2  }
0x290: {  	s0 =	sadd.s32 $0x10, s0;
	v3 =	vld [tilespmem:s30+$0x0]  }
0x291: {  	_ =	sdelay $0x2  }
0x292: {  	v4 =	vmov s29  }
0x293: {  	v4 =	vshll.u32 v4, $0x3;
	v5 =	vshll.u32 v3, $0x9  }
0x294: {  	v4 =	vand.u32 $0xC00, v4;
	v6 =	vshll.u32 v3, $0x7;
	v5 =	vand.u32 $0xFFFFF000, v5  }
0x295: {  	v7 =	vor.u32 s29, v1;
	v4 =	vor.u32 v4, v5;
	v5 =	vand.u32 $0x380, v6  }
0x296: {  	v63 =	vand.u32 $0x7F, v7;
	v3 =	vadd.s32 $0xFFFFFD80, v3;
	v4 =	vor.u32 v5, v4  }
0x297: {  	vm0 =	vlt.u32 v3, $0x50;
	v3 =	vor.u32 v63, v4  }
0x298: {  	v3 =	vadd.s32 $0xFFFB0000, v3;
	_ =	sdelay $0x4  }
0x299: {  	[tilespmem:v3+s23+$0x0] =	vst.idx.msk vm0, v2  }
0x29a: {  	[hbm4b:s12+s20] =	stream.strided.scatter [tilespmem:s23], [sflag:$0x3], $0xA000, s21, s20, $0x38;
	[tilespmem:$0x1E200] =	vst v63  }
0x29b: {  	_ =	swait.ge [sflag:s24], $0xA000  }
0x29c: {  	[sflag:s24] =	ssyncset.done $0x0  }
0x29d: {  	s29 =	simm.s32 $0x0;
	[sflag:s24] =	ssyncadd.s32 $0xFFFF6000  }
0x29e: {  	s30 =	simm.s32 $0x10;
	s0 =	simm.s32 $0x0;
	s31 =	simm.s32 $0x0;
	v3 =	vld [tilespmem:s29+$0x0]  }
.LBB2_38:
0x29f: {  	p0 =	sne.s32 s30, $0x1F0;
	_ =	sdelay $0x2  }
0x2a0: {  	v4 =	vmov s0  }
0x2a1: {  	v4 =	vshll.u32 v4, $0x3;
	v5 =	vshll.u32 v3, $0x9  }
0x2a2: {  	v4 =	vand.u32 $0xC00, v4;
	v6 =	vshll.u32 v3, $0x7;
	v5 =	vand.u32 $0xFFFFF000, v5  }
0x2a3: {  	v7 =	vor.u32 s0, v1;
	s0 =	smov.u32 s30;
	v4 =	vor.u32 v4, v5;
	v5 =	vand.u32 $0x380, v6  }
0x2a4: {  	v3 =	vadd.s32 $0xFFFFFE20, v3;
	v6 =	vand.u32 $0x7F, v7;
	v4 =	vor.u32 v5, v4  }
0x2a5: {  	vm0 =	vlt.u32 v3, $0x50;
	v3 =	vor.u32 v6, v4  }
0x2a6: {  	v3 =	vadd.s32 $0xFFFC4000, v3;
	_ =	sdelay $0x1  }
.Ltmp18:
0x2a7: {  	(pc) =	sbr.rel @p0 .LBB2_38-.Ltmp18, $3  }
0x2a8: {  	_ =	sdelay $0x1  }
0x2a9: {  	s31 =	sadd.s32 $0x10, s31;
	[tilespmem:v3+s19+$0x0] =	vst.idx.msk vm0, v0  }
0x2aa: {  	s30 =	sadd.s32 $0x10, s30;
	v3 =	vld [tilespmem:s31+$0x0]  }
0x2ab: {  	_ =	sdelay $0x2  }
0x2ac: {  	v4 =	vmov s0  }
0x2ad: {  	v4 =	vshll.u32 v4, $0x3;
	v5 =	vshll.u32 v3, $0x9  }
0x2ae: {  	v4 =	vand.u32 $0xC00, v4;
	v6 =	vshll.u32 v3, $0x7;
	v5 =	vand.u32 $0xFFFFF000, v5  }
0x2af: {  	v7 =	vor.u32 s0, v1;
	v4 =	vor.u32 v4, v5;
	v5 =	vand.u32 $0x380, v6  }
0x2b0: {  	v63 =	vand.u32 $0x7F, v7;
	v3 =	vadd.s32 $0xFFFFFE20, v3;
	v4 =	vor.u32 v5, v4  }
0x2b1: {  	vm0 =	vlt.u32 v3, $0x50;
	v3 =	vor.u32 v63, v4  }
0x2b2: {  	v3 =	vadd.s32 $0xFFFC4000, v3;
	_ =	sdelay $0x4  }
0x2b3: {  	[tilespmem:v3+s19+$0x0] =	vst.idx.msk vm0, v0  }
0x2b4: {  	s0 =	simm.s32 $0x10;
	s30 =	simm.s32 $0x0;
	v3 =	vld [tilespmem:s29+$0x0]  }
.LBB2_40:
0x2b5: {  	p0 =	sne.s32 s0, $0x1F0;
	_ =	sdelay $0x2  }
0x2b6: {  	v4 =	vmov s29  }
0x2b7: {  	v4 =	vshll.u32 v4, $0x3;
	v5 =	vshll.u32 v3, $0x9  }
0x2b8: {  	v4 =	vand.u32 $0xC00, v4;
	v6 =	vshll.u32 v3, $0x7;
	v5 =	vand.u32 $0xFFFFF000, v5  }
0x2b9: {  	v7 =	vor.u32 s29, v1;
	s29 =	smov.u32 s0;
	v4 =	vor.u32 v4, v5;
	v5 =	vand.u32 $0x380, v6  }
0x2ba: {  	v3 =	vadd.s32 $0xFFFFFD30, v3;
	v6 =	vand.u32 $0x7F, v7;
	v4 =	vor.u32 v5, v4  }
0x2bb: {  	vm0 =	vlt.u32 v3, $0x50;
	v3 =	vor.u32 v6, v4  }
0x2bc: {  	v3 =	vadd.s32 $0xFFFA6000, v3;
	_ =	sdelay $0x1  }
.Ltmp19:
0x2bd: {  	(pc) =	sbr.rel @p0 .LBB2_40-.Ltmp19, $3  }
0x2be: {  	_ =	sdelay $0x1  }
0x2bf: {  	s30 =	sadd.s32 $0x10, s30;
	[tilespmem:v3+s19+$0x0] =	vst.idx.msk vm0, v2  }
0x2c0: {  	s0 =	sadd.s32 $0x10, s0;
	v3 =	vld [tilespmem:s30+$0x0]  }
0x2c1: {  	_ =	sdelay $0x2  }
0x2c2: {  	v4 =	vmov s29  }
0x2c3: {  	v4 =	vshll.u32 v4, $0x3;
	v5 =	vshll.u32 v3, $0x9  }
0x2c4: {  	v4 =	vand.u32 $0xC00, v4;
	v6 =	vshll.u32 v3, $0x7;
	v5 =	vand.u32 $0xFFFFF000, v5  }
0x2c5: {  	v7 =	vor.u32 s29, v1;
	v4 =	vor.u32 v4, v5;
	v5 =	vand.u32 $0x380, v6  }
0x2c6: {  	v63 =	vand.u32 $0x7F, v7;
	v3 =	vadd.s32 $0xFFFFFD30, v3;
	v4 =	vor.u32 v5, v4  }
0x2c7: {  	vm0 =	vlt.u32 v3, $0x50;
	v3 =	vor.u32 v63, v4  }
0x2c8: {  	v3 =	vadd.s32 $0xFFFA6000, v3;
	_ =	sdelay $0x4  }
0x2c9: {  	[tilespmem:v3+s19+$0x0] =	vst.idx.msk vm0, v2  }
0x2ca: {  	[hbm4b:s13+s20] =	stream.strided.scatter [tilespmem:s19], [sflag:$0x1], $0xA000, s21, s20, $0x38;
	[tilespmem:$0x1E200] =	vst v63  }
0x2cb: {  	_ =	swait.ge [sflag:s25], $0xA000  }
0x2cc: {  	[sflag:s25] =	ssyncset.done $0x0  }
0x2cd: {  	s29 =	simm.s32 $0x0;
	[sflag:s25] =	ssyncadd.s32 $0xFFFF6000  }
0x2ce: {  	s30 =	simm.s32 $0x10;
	s0 =	simm.s32 $0x0;
	s31 =	simm.s32 $0x0;
	v3 =	vld [tilespmem:s29+$0x0]  }
.LBB2_42:
0x2cf: {  	p0 =	sne.s32 s30, $0x1F0;
	_ =	sdelay $0x2  }
0x2d0: {  	v4 =	vmov s0  }
0x2d1: {  	v4 =	vshll.u32 v4, $0x3;
	v5 =	vshll.u32 v3, $0x9  }
0x2d2: {  	v4 =	vand.u32 $0xC00, v4;
	v6 =	vshll.u32 v3, $0x7;
	v5 =	vand.u32 $0xFFFFF000, v5  }
0x2d3: {  	v7 =	vor.u32 s0, v1;
	s0 =	smov.u32 s30;
	v4 =	vor.u32 v4, v5;
	v5 =	vand.u32 $0x380, v6  }
0x2d4: {  	v3 =	vadd.s32 $0xFFFFFDD0, v3;
	v6 =	vand.u32 $0x7F, v7;
	v4 =	vor.u32 v5, v4  }
0x2d5: {  	vm0 =	vlt.u32 v3, $0x50;
	v3 =	vor.u32 v6, v4  }
0x2d6: {  	v3 =	vadd.s32 $0xFFFBA000, v3;
	_ =	sdelay $0x1  }
.Ltmp20:
0x2d7: {  	(pc) =	sbr.rel @p0 .LBB2_42-.Ltmp20, $3  }
0x2d8: {  	_ =	sdelay $0x1  }
0x2d9: {  	s31 =	sadd.s32 $0x10, s31;
	[tilespmem:v3+s22+$0x0] =	vst.idx.msk vm0, v0  }
0x2da: {  	s30 =	sadd.s32 $0x10, s30;
	v3 =	vld [tilespmem:s31+$0x0]  }
0x2db: {  	_ =	sdelay $0x2  }
0x2dc: {  	v4 =	vmov s0  }
0x2dd: {  	v4 =	vshll.u32 v4, $0x3;
	v5 =	vshll.u32 v3, $0x9  }
0x2de: {  	v4 =	vand.u32 $0xC00, v4;
	v6 =	vshll.u32 v3, $0x7;
	v5 =	vand.u32 $0xFFFFF000, v5  }
0x2df: {  	v7 =	vor.u32 s0, v1;
	v4 =	vor.u32 v4, v5;
	v5 =	vand.u32 $0x380, v6  }
0x2e0: {  	v63 =	vand.u32 $0x7F, v7;
	v3 =	vadd.s32 $0xFFFFFDD0, v3;
	v4 =	vor.u32 v5, v4  }
0x2e1: {  	vm0 =	vlt.u32 v3, $0x50;
	v3 =	vor.u32 v63, v4  }
0x2e2: {  	v3 =	vadd.s32 $0xFFFBA000, v3;
	_ =	sdelay $0x4  }
0x2e3: {  	[tilespmem:v3+s22+$0x0] =	vst.idx.msk vm0, v0  }
0x2e4: {  	s0 =	simm.s32 $0x10;
	s30 =	simm.s32 $0x0;
	v3 =	vld [tilespmem:s29+$0x0]  }
.LBB2_44:
0x2e5: {  	p0 =	sne.s32 s0, $0x1F0;
	_ =	sdelay $0x2  }
0x2e6: {  	v4 =	vmov s29  }
0x2e7: {  	v4 =	vshll.u32 v4, $0x3;
	v5 =	vshll.u32 v3, $0x9  }
0x2e8: {  	v4 =	vand.u32 $0xC00, v4;
	v6 =	vshll.u32 v3, $0x7;
	v5 =	vand.u32 $0xFFFFF000, v5  }
0x2e9: {  	v7 =	vor.u32 s29, v1;
	s29 =	smov.u32 s0;
	v4 =	vor.u32 v4, v5;
	v5 =	vand.u32 $0x380, v6  }
0x2ea: {  	v3 =	vadd.s32 $0xFFFFFCE0, v3;
	v6 =	vand.u32 $0x7F, v7;
	v4 =	vor.u32 v5, v4  }
0x2eb: {  	vm0 =	vlt.u32 v3, $0x50;
	v3 =	vor.u32 v6, v4  }
0x2ec: {  	v3 =	vadd.s32 $0xFFF9C000, v3;
	_ =	sdelay $0x1  }
.Ltmp21:
0x2ed: {  	(pc) =	sbr.rel @p0 .LBB2_44-.Ltmp21, $3  }
0x2ee: {  	_ =	sdelay $0x1  }
0x2ef: {  	s30 =	sadd.s32 $0x10, s30;
	[tilespmem:v3+s22+$0x0] =	vst.idx.msk vm0, v2  }
0x2f0: {  	s0 =	sadd.s32 $0x10, s0;
	v3 =	vld [tilespmem:s30+$0x0]  }
0x2f1: {  	_ =	sdelay $0x2  }
0x2f2: {  	v4 =	vmov s29  }
0x2f3: {  	v4 =	vshll.u32 v4, $0x3;
	v5 =	vshll.u32 v3, $0x9  }
0x2f4: {  	v4 =	vand.u32 $0xC00, v4;
	v6 =	vshll.u32 v3, $0x7;
	v5 =	vand.u32 $0xFFFFF000, v5  }
0x2f5: {  	v7 =	vor.u32 s29, v1;
	v4 =	vor.u32 v4, v5;
	v5 =	vand.u32 $0x380, v6  }
0x2f6: {  	v63 =	vand.u32 $0x7F, v7;
	v3 =	vadd.s32 $0xFFFFFCE0, v3;
	v4 =	vor.u32 v5, v4  }
0x2f7: {  	vm0 =	vlt.u32 v3, $0x50;
	v3 =	vor.u32 v63, v4  }
0x2f8: {  	v3 =	vadd.s32 $0xFFF9C000, v3;
	_ =	sdelay $0x4  }
0x2f9: {  	[tilespmem:v3+s22+$0x0] =	vst.idx.msk vm0, v2  }
0x2fa: {  	[hbm4b:s14+s20] =	stream.strided.scatter [tilespmem:s22], [sflag:$0x2], $0xA000, s21, s20, $0x38;
	[tilespmem:$0x1E200] =	vst v63  }
0x2fb: {  	_ =	swait.ge [sflag:s26], $0xA000  }
0x2fc: {  	[sflag:s26] =	ssyncset.done $0x0  }
0x2fd: {  	s29 =	simm.s32 $0x0;
	[sflag:s26] =	ssyncadd.s32 $0xFFFF6000  }
0x2fe: {  	s30 =	simm.s32 $0x10;
	s0 =	simm.s32 $0x0;
	s31 =	simm.s32 $0x0;
	v3 =	vld [tilespmem:s29+$0x0]  }
.LBB2_46:
0x2ff: {  	p0 =	sne.s32 s30, $0x1F0;
	_ =	sdelay $0x2  }
0x300: {  	v4 =	vmov s0  }
0x301: {  	v4 =	vshll.u32 v4, $0x3;
	v5 =	vshll.u32 v3, $0x9  }
0x302: {  	v4 =	vand.u32 $0xC00, v4;
	v6 =	vshll.u32 v3, $0x7;
	v5 =	vand.u32 $0xFFFFF000, v5  }
0x303: {  	v7 =	vor.u32 s0, v1;
	s0 =	smov.u32 s30;
	v4 =	vor.u32 v4, v5;
	v5 =	vand.u32 $0x380, v6  }
0x304: {  	v3 =	vadd.s32 $0xFFFFFD80, v3;
	v6 =	vand.u32 $0x7F, v7;
	v4 =	vor.u32 v5, v4  }
0x305: {  	vm0 =	vlt.u32 v3, $0x50;
	v3 =	vor.u32 v6, v4  }
0x306: {  	v3 =	vadd.s32 $0xFFFB0000, v3;
	_ =	sdelay $0x1  }
.Ltmp22:
0x307: {  	(pc) =	sbr.rel @p0 .LBB2_46-.Ltmp22, $3  }
0x308: {  	_ =	sdelay $0x1  }
0x309: {  	s31 =	sadd.s32 $0x10, s31;
	[tilespmem:v3+s23+$0x0] =	vst.idx.msk vm0, v0  }
0x30a: {  	s30 =	sadd.s32 $0x10, s30;
	v3 =	vld [tilespmem:s31+$0x0]  }
0x30b: {  	_ =	sdelay $0x2  }
0x30c: {  	v4 =	vmov s0  }
0x30d: {  	v4 =	vshll.u32 v4, $0x3;
	v5 =	vshll.u32 v3, $0x9  }
0x30e: {  	v4 =	vand.u32 $0xC00, v4;
	v6 =	vshll.u32 v3, $0x7;
	v5 =	vand.u32 $0xFFFFF000, v5  }
0x30f: {  	v7 =	vor.u32 s0, v1;
	v4 =	vor.u32 v4, v5;
	v5 =	vand.u32 $0x380, v6  }
0x310: {  	v63 =	vand.u32 $0x7F, v7;
	v3 =	vadd.s32 $0xFFFFFD80, v3;
	v4 =	vor.u32 v5, v4  }
0x311: {  	vm0 =	vlt.u32 v3, $0x50;
	v3 =	vor.u32 v63, v4  }
0x312: {  	v3 =	vadd.s32 $0xFFFB0000, v3;
	_ =	sdelay $0x4  }
0x313: {  	[tilespmem:v3+s23+$0x0] =	vst.idx.msk vm0, v0  }
0x314: {  	s0 =	simm.s32 $0x10;
	s30 =	simm.s32 $0x0;
	v3 =	vld [tilespmem:s29+$0x0]  }
.LBB2_48:
0x315: {  	p0 =	sne.s32 s0, $0x1F0;
	_ =	sdelay $0x2  }
0x316: {  	v4 =	vmov s29  }
0x317: {  	v4 =	vshll.u32 v4, $0x3;
	v5 =	vshll.u32 v3, $0x9  }
0x318: {  	v4 =	vand.u32 $0xC00, v4;
	v6 =	vshll.u32 v3, $0x7;
	v5 =	vand.u32 $0xFFFFF000, v5  }
0x319: {  	v7 =	vor.u32 s29, v1;
	s29 =	smov.u32 s0;
	v4 =	vor.u32 v4, v5;
	v5 =	vand.u32 $0x380, v6  }
0x31a: {  	v3 =	vadd.s32 $0xFFFFFC90, v3;
	v6 =	vand.u32 $0x7F, v7;
	v4 =	vor.u32 v5, v4  }
0x31b: {  	vm0 =	vlt.u32 v3, $0x50;
	v3 =	vor.u32 v6, v4  }
0x31c: {  	v3 =	vadd.s32 $0xFFF92000, v3;
	_ =	sdelay $0x1  }
.Ltmp23:
0x31d: {  	(pc) =	sbr.rel @p0 .LBB2_48-.Ltmp23, $3  }
0x31e: {  	_ =	sdelay $0x1  }
0x31f: {  	s30 =	sadd.s32 $0x10, s30;
	[tilespmem:v3+s23+$0x0] =	vst.idx.msk vm0, v2  }
0x320: {  	s0 =	sadd.s32 $0x10, s0;
	v3 =	vld [tilespmem:s30+$0x0]  }
0x321: {  	_ =	sdelay $0x2  }
0x322: {  	v4 =	vmov s29  }
0x323: {  	v4 =	vshll.u32 v4, $0x3;
	v5 =	vshll.u32 v3, $0x9  }
0x324: {  	v4 =	vand.u32 $0xC00, v4;
	v6 =	vshll.u32 v3, $0x7;
	v5 =	vand.u32 $0xFFFFF000, v5  }
0x325: {  	v7 =	vor.u32 s29, v1;
	v4 =	vor.u32 v4, v5;
	v5 =	vand.u32 $0x380, v6  }
0x326: {  	v63 =	vand.u32 $0x7F, v7;
	v3 =	vadd.s32 $0xFFFFFC90, v3;
	v4 =	vor.u32 v5, v4  }
0x327: {  	vm0 =	vlt.u32 v3, $0x50;
	v3 =	vor.u32 v63, v4  }
0x328: {  	v3 =	vadd.s32 $0xFFF92000, v3;
	_ =	sdelay $0x4  }
0x329: {  	[tilespmem:v3+s23+$0x0] =	vst.idx.msk vm0, v2  }
0x32a: {  	[hbm4b:s15+s20] =	stream.strided.scatter [tilespmem:s23], [sflag:$0x3], $0xA000, s21, s20, $0x38;
	[tilespmem:$0x1E200] =	vst v63  }
0x32b: {  	_ =	swait.ge [sflag:s24], $0xA000  }
0x32c: {  	[sflag:s24] =	ssyncset.done $0x0  }
0x32d: {  	s29 =	simm.s32 $0x0;
	[sflag:s24] =	ssyncadd.s32 $0xFFFF6000  }
0x32e: {  	s30 =	simm.s32 $0x10;
	s0 =	simm.s32 $0x0;
	s31 =	simm.s32 $0x0;
	v3 =	vld [tilespmem:s29+$0x0]  }
.LBB2_50:
0x32f: {  	p0 =	sne.s32 s30, $0x1F0;
	_ =	sdelay $0x2  }
0x330: {  	v4 =	vmov s0  }
0x331: {  	v4 =	vshll.u32 v4, $0x3;
	v5 =	vshll.u32 v3, $0x9  }
0x332: {  	v4 =	vand.u32 $0xC00, v4;
	v6 =	vshll.u32 v3, $0x7;
	v5 =	vand.u32 $0xFFFFF000, v5  }
0x333: {  	v7 =	vor.u32 s0, v1;
	s0 =	smov.u32 s30;
	v4 =	vor.u32 v4, v5;
	v5 =	vand.u32 $0x380, v6  }
0x334: {  	v3 =	vadd.s32 $0xFFFFFD30, v3;
	v6 =	vand.u32 $0x7F, v7;
	v4 =	vor.u32 v5, v4  }
0x335: {  	vm0 =	vlt.u32 v3, $0x50;
	v3 =	vor.u32 v6, v4  }
0x336: {  	v3 =	vadd.s32 $0xFFFA6000, v3;
	_ =	sdelay $0x1  }
.Ltmp24:
0x337: {  	(pc) =	sbr.rel @p0 .LBB2_50-.Ltmp24, $3  }
0x338: {  	_ =	sdelay $0x1  }
0x339: {  	s31 =	sadd.s32 $0x10, s31;
	[tilespmem:v3+s19+$0x0] =	vst.idx.msk vm0, v0  }
0x33a: {  	s30 =	sadd.s32 $0x10, s30;
	v3 =	vld [tilespmem:s31+$0x0]  }
0x33b: {  	_ =	sdelay $0x2  }
0x33c: {  	v4 =	vmov s0  }
0x33d: {  	v4 =	vshll.u32 v4, $0x3;
	v5 =	vshll.u32 v3, $0x9  }
0x33e: {  	v4 =	vand.u32 $0xC00, v4;
	v6 =	vshll.u32 v3, $0x7;
	v5 =	vand.u32 $0xFFFFF000, v5  }
0x33f: {  	v7 =	vor.u32 s0, v1;
	v4 =	vor.u32 v4, v5;
	v5 =	vand.u32 $0x380, v6  }
0x340: {  	v63 =	vand.u32 $0x7F, v7;
	v3 =	vadd.s32 $0xFFFFFD30, v3;
	v4 =	vor.u32 v5, v4  }
0x341: {  	vm0 =	vlt.u32 v3, $0x50;
	v3 =	vor.u32 v63, v4  }
0x342: {  	v3 =	vadd.s32 $0xFFFA6000, v3;
	_ =	sdelay $0x4  }
0x343: {  	[tilespmem:v3+s19+$0x0] =	vst.idx.msk vm0, v0  }
0x344: {  	s0 =	simm.s32 $0x10;
	s30 =	simm.s32 $0x0;
	v3 =	vld [tilespmem:s29+$0x0]  }
.LBB2_52:
0x345: {  	p0 =	sne.s32 s0, $0x1F0;
	_ =	sdelay $0x2  }
0x346: {  	v4 =	vmov s29  }
0x347: {  	v4 =	vshll.u32 v4, $0x3;
	v5 =	vshll.u32 v3, $0x9  }
0x348: {  	v4 =	vand.u32 $0xC00, v4;
	v6 =	vshll.u32 v3, $0x7;
	v5 =	vand.u32 $0xFFFFF000, v5  }
0x349: {  	v7 =	vor.u32 s29, v1;
	s29 =	smov.u32 s0;
	v4 =	vor.u32 v4, v5;
	v5 =	vand.u32 $0x380, v6  }
0x34a: {  	v3 =	vadd.s32 $0xFFFFFC40, v3;
	v6 =	vand.u32 $0x7F, v7;
	v4 =	vor.u32 v5, v4  }
0x34b: {  	vm0 =	vlt.u32 v3, $0x28;
	v3 =	vor.u32 v6, v4  }
0x34c: {  	v3 =	vadd.s32 $0xFFF88000, v3;
	_ =	sdelay $0x1  }
.Ltmp25:
0x34d: {  	(pc) =	sbr.rel @p0 .LBB2_52-.Ltmp25, $3  }
0x34e: {  	_ =	sdelay $0x1  }
0x34f: {  	s30 =	sadd.s32 $0x10, s30;
	[tilespmem:v3+s19+$0x0] =	vst.idx.msk vm0, v2  }
0x350: {  	s0 =	sadd.s32 $0x10, s0;
	v3 =	vld [tilespmem:s30+$0x0]  }
0x351: {  	_ =	sdelay $0x2  }
0x352: {  	v4 =	vmov s29  }
0x353: {  	v4 =	vshll.u32 v4, $0x3;
	v5 =	vshll.u32 v3, $0x9  }
0x354: {  	v4 =	vand.u32 $0xC00, v4;
	v6 =	vshll.u32 v3, $0x7;
	v5 =	vand.u32 $0xFFFFF000, v5  }
0x355: {  	v7 =	vor.u32 s29, v1;
	v62 =	vand.u32 $0x380, v6;
	v4 =	vor.u32 v4, v5  }
0x356: {  	v63 =	vand.u32 $0x7F, v7;
	v3 =	vadd.s32 $0xFFFFFC40, v3;
	v4 =	vor.u32 v62, v4  }
0x357: {  	vm0 =	vlt.u32 v3, $0x28;
	v3 =	vor.u32 v63, v4  }
0x358: {  	v3 =	vadd.s32 $0xFFF88000, v3;
	_ =	sdelay $0x4  }
0x359: {  	[tilespmem:v3+s19+$0x0] =	vst.idx.msk vm0, v2  }
0x35a: {  	[hbm4b:s16+s20] =	stream.strided.scatter [tilespmem:s19], [sflag:$0x1], $0x5000, s21, s20, $0x38;
	[tilespmem:$0x1E200] =	vst v63  }
0x35b: {  	_ =	swait.ge [sflag:s24], $0x5000  }
0x35c: {  	[sflag:s24] =	ssyncset.done $0x0  }
0x35d: {  	s28 =	sadd.s32 $0x1, s28;
	[sflag:s24] =	ssyncadd.s32 $0xFFFFB000  }
0x35e: {  	p0 =	sne.s32 s28, s17;
	_ =	swait.ge [sflag:s25], $0xA000  }
.Ltmp26:
0x35f: {  	[sflag:s25] =	ssyncset.done $0x0;
	(pc) =	sbr.rel @p0 .LBB2_1-.Ltmp26, $4  }
0x360: {  	[sflag:s25] =	ssyncadd.s32 $0xFFFF6000  }
0x361: {  	_ =	swait.ge [sflag:s26], $0xA000  }
0x362: {  	[sflag:s26] =	ssyncset.done $0x0  }
0x363: {  	[sflag:s26] =	ssyncadd.s32 $0xFFFF6000  }
0x364: {  	_ =	sfence.sel $0x180000  }
0x365: {  	[bflag:$0x0] =	sbarrier.arrive $0xFFFF  }
0x366: {  	_ =	strace $0x90000047  }
0x367: {  	s0 =	stileid.u32;
	[bflag:$0x2] =	sbarrier.arrive $0xFFFF  }
0x368: {  	p0 =	sne.s32 s0, $0x0;
	s0 =	rddreg [dreg:$0x2]  }
0x369: {  	s0 =	sadd.s32 @!p0 $0x100000, s0  }
0x36a: {  	[sflag:s0] =	ssyncadd.tile.s32 @!p0 $0x1;
	_ =	shalt  }
.Lfunc_end2:
_tile_overlayer_lowered:
.L_overlay_start_2:
0x36b: {  	(tag) =	ssettag $0x2  }
0x36c: {  	s0 =	rddreg [dreg:$0x0];
	s2 =	stileid.u32  }
0x36d: {  	s1 =	rddreg [dreg:$0x1];
	p0 =	sne.s32 s2, $0x0  }
0x36e: {  	s3 =	rddreg [dreg:$0x2];
	[bflag:$0x3] =	sbarrier.arrive $0xFFFF;
	s2 =	simm.s32 @!p0 $0x1C05  }
0x36f: {  	[timem:s3], [sflag:s2] =	dma.local @!p0 [hbm:s0], s1  }
0x370: {  	s0 =	simm.s32 @!p0 $0x5  }
0x371: {  	_ =	swait.ge @!p0 [sflag:s0], s1  }
0x372: {  	s1 =	ssub.s32 @!p0 $0x0, s1;
	[sflag:s0] =	ssyncset.done @!p0 $0x0  }
0x373: {  	[sflag:s0] =	ssyncadd.s32 @!p0 s1  }
0x374: {  	[bflag:$0x3] =	sbarrier.arrive $0xFFFF  }
0x375: {  	_ =	shalt  }

</sc_bundles>
